<compile_context>
chip_gen: v7x
topology: tpu7x:2x2x1
jax: 0.10.2.dev20260603
libtpu: 0.0.44.dev20260713+nightly
codegen_flags: <defaults>
</compile_context>

<pallas_src>
import jax
import jax.numpy as jnp
from jax import lax
from jax.experimental import pallas as pl
from jax.experimental.pallas import tpu as pltpu
from jax.experimental.pallas import tpu_sc as plsc

_N = 5000
_NV = 5024
_SCORE_THRESH = 0.05
_NMS_THRESH = 0.5
_DETS = 100
_KPAD = 128
_SUPP = 128
_OUTP = 512


def _splat(i):
    return jnp.full((16,), i, jnp.int32)


def _nms_body(boxes_hbm, ssort_hbm, order_hbm, out_hbm,
              boxes_v, ssort_v, order_v,
              kx1_v, ky1_v, kx2_v, ky2_v, karea_v, ks_v, supp_v, out_v,
              dma_sem):
    core = lax.axis_index("c")
    sub = lax.axis_index("s")
    wid = sub * 2 + core

    @pl.when(wid == 0)
    def _():
        c1 = pltpu.make_async_copy(boxes_hbm, boxes_v.at[pl.ds(0, _N * 4)], dma_sem)
        c2 = pltpu.make_async_copy(ssort_hbm, ssort_v.at[pl.ds(0, _N)], dma_sem)
        c3 = pltpu.make_async_copy(order_hbm, order_v.at[pl.ds(0, _N)], dma_sem)
        c1.start()
        c2.start()
        c3.start()
        c1.wait()
        c2.wait()
        c3.wait()

        iota = lax.iota(jnp.int32, 16)
        lane0 = iota == 0
        zeros_f = jnp.zeros((16,), jnp.float32)
        false_v = iota < 0

        sent = jnp.full((16,), 3e9, jnp.float32)
        for c in range(_KPAD // 16):
            kx1_v[pl.ds(c * 16, 16)] = sent
            ky1_v[pl.ds(c * 16, 16)] = sent
            kx2_v[pl.ds(c * 16, 16)] = sent
            ky2_v[pl.ds(c * 16, 16)] = sent
            karea_v[pl.ds(c * 16, 16)] = zeros_f

        def gather_box(oi_v):
            base4 = oi_v * 4
            cx1 = plsc.load_gather(boxes_v, [base4])
            cy1 = plsc.load_gather(boxes_v, [base4 + 1])
            cx2 = plsc.load_gather(boxes_v, [base4 + 2])
            cy2 = plsc.load_gather(boxes_v, [base4 + 3])
            return cx1, cy1, cx2, cy2

        def cond(c):
            i, K, P, nv, go = c
            return go & (i < _N) & (K < _DETS)

        def body(c):
            i, K, P, nv, go = c
            s = ssort_v[pl.ds(i, 16)][0]
            oi = order_v[pl.ds(i, 16)][0]
            valid = s > _SCORE_THRESH

            cx1, cy1, cx2, cy2 = gather_box(_splat(oi))
            carea = (cx2 - cx1) * (cy2 - cy1)

            nblocks = (K + 31) // 32

            def one_chunk(base):
                vx1 = kx1_v[pl.ds(base, 16)]
                vy1 = ky1_v[pl.ds(base, 16)]
                vx2 = kx2_v[pl.ds(base, 16)]
                vy2 = ky2_v[pl.ds(base, 16)]
                va = karea_v[pl.ds(base, 16)]
                xx1 = jnp.maximum(vx1, cx1)
                yy1 = jnp.maximum(vy1, cy1)
                xx2 = jnp.minimum(vx2, cx2)
                yy2 = jnp.minimum(vy2, cy2)
                w = jnp.maximum(xx2 - xx1, 0.0)
                h = jnp.maximum(yy2 - yy1, 0.0)
                inter = w * h
                iou = inter / (va + carea - inter + 1e-9)
                return iou > _NMS_THRESH

            def iou_block(bi, hits):
                base = bi * 32
                return hits | one_chunk(base) | one_chunk(base + 16)

            hits = lax.fori_loop(0, nblocks, iou_block, false_v)
            nhit = plsc.all_reduce_population_count(hits)[0]
            suppressed = nhit > 0
            keep = valid & jnp.logical_not(suppressed)

            Kc = _splat(K)
            km = lane0 & keep
            plsc.store_scatter(kx1_v, [Kc], cx1, mask=km)
            plsc.store_scatter(ky1_v, [Kc], cy1, mask=km)
            plsc.store_scatter(kx2_v, [Kc], cx2, mask=km)
            plsc.store_scatter(ky2_v, [Kc], cy2, mask=km)
            plsc.store_scatter(karea_v, [Kc], carea, mask=km)
            plsc.store_scatter(ks_v, [Kc], jnp.full((16,), s), mask=km)

            sup_rec = valid & suppressed
            plsc.store_scatter(
                supp_v, [_splat(jnp.minimum(P, _SUPP - 1))], _splat(i),
                mask=lane0 & (sup_rec & (P < _DETS)))

            K = K + keep.astype(jnp.int32)
            P = P + sup_rec.astype(jnp.int32)
            nv = jnp.where(valid, nv, i)
            return (i + 1, K, P, nv, valid)

        i_f, K_f, P_f, nv_f, go_f = lax.while_loop(
            cond, body, (jnp.int32(0), jnp.int32(0), jnp.int32(0),
                         jnp.int32(0), True))
        nv_eff = jnp.where(go_f, i_f, nv_f)

        def pad_body(slot, _):
            off = slot - K_f
            in_supp = off < P_f
            ps = supp_v[pl.ds(off, 16)][0]
            pos = jnp.where(in_supp, ps, nv_eff + (off - P_f))
            oi = order_v[pl.ds(pos, 16)][0]
            cx1, cy1, cx2, cy2 = gather_box(_splat(oi))
            Sc = _splat(slot)
            km = lane0
            plsc.store_scatter(kx1_v, [Sc], cx1, mask=km)
            plsc.store_scatter(ky1_v, [Sc], cy1, mask=km)
            plsc.store_scatter(kx2_v, [Sc], cx2, mask=km)
            plsc.store_scatter(ky2_v, [Sc], cy2, mask=km)
            plsc.store_scatter(ks_v, [Sc], zeros_f, mask=km)
            return 0

        lax.fori_loop(K_f, _DETS, pad_body, 0)

        for c in range(7):
            rows = _splat(c * 16) + iota
            dst = rows * 5
            ok = rows < _DETS
            plsc.store_scatter(out_v, [dst], kx1_v[pl.ds(c * 16, 16)], mask=ok)
            plsc.store_scatter(out_v, [dst + 1], ky1_v[pl.ds(c * 16, 16)], mask=ok)
            plsc.store_scatter(out_v, [dst + 2], kx2_v[pl.ds(c * 16, 16)], mask=ok)
            plsc.store_scatter(out_v, [dst + 3], ky2_v[pl.ds(c * 16, 16)], mask=ok)
            plsc.store_scatter(out_v, [dst + 4], ks_v[pl.ds(c * 16, 16)], mask=ok)

        pltpu.sync_copy(out_v.at[pl.ds(0, _DETS * 5)], out_hbm)


@jax.jit
def _sc_nms(boxes_flat, ssort, order):
    mesh = plsc.VectorSubcoreMesh(core_axis_name="c", subcore_axis_name="s")
    return pl.kernel(
        _nms_body,
        out_type=jax.ShapeDtypeStruct((_DETS * 5,), jnp.float32),
        mesh=mesh,
        scratch_types=[
            pltpu.VMEM((_NV * 4,), jnp.float32),
            pltpu.VMEM((_NV,), jnp.float32),
            pltpu.VMEM((_NV,), jnp.int32),
            pltpu.VMEM((_KPAD,), jnp.float32),
            pltpu.VMEM((_KPAD,), jnp.float32),
            pltpu.VMEM((_KPAD,), jnp.float32),
            pltpu.VMEM((_KPAD,), jnp.float32),
            pltpu.VMEM((_KPAD,), jnp.float32),
            pltpu.VMEM((_KPAD,), jnp.float32),
            pltpu.VMEM((_SUPP,), jnp.int32),
            pltpu.VMEM((_OUTP,), jnp.float32),
            pltpu.SemaphoreType.DMA,
        ],
        compiler_params=pltpu.CompilerParams(needs_layout_passes=False),
    )(boxes_flat, ssort, order)


def kernel(boxes, scores):
    neg = jnp.where(scores > _SCORE_THRESH, -scores, 1.0)
    neg_sorted, order = lax.sort(
        (neg, jnp.arange(_N, dtype=jnp.int32)), num_keys=1)
    out_flat = _sc_nms(boxes.reshape(-1), -neg_sorted, order)
    return out_flat.reshape(_DETS, 5)

# --- scband reference (transcript-rebuilt; emitter-appended) ---
"""Pipeline reference for scband-standard-roiheads-37254546326134 (READ-ONLY COPY).

The authoritative reference and input builder live on the scoring server;
editing this copy changes nothing except your own understanding.
"""

import jax, jax.numpy as jnp
import numpy as np

N = 5000
SCORE_THRESH = 0.05
NMS_THRESH = 0.5
DETS_PER_IMG = 100


def setup_inputs(seed: int = 0) -> dict:
    key = jax.random.key(seed)
    k1, k2 = jax.random.split(key)
    raw = jax.random.uniform(k1, (N, 4), dtype=jnp.float32)
    # Construct valid xyxy boxes inside a 1024x1024 image canvas
    x1 = raw[:, 0] * 1024.0
    y1 = raw[:, 1] * 1024.0
    x2 = x1 + raw[:, 2] * 256.0 + 1.0
    y2 = y1 + raw[:, 3] * 256.0 + 1.0
    boxes = jnp.stack([x1, y1, x2, y2], axis=1)
    scores = jax.random.uniform(k2, (N,), dtype=jnp.float32)
    return {"boxes": boxes, "scores": scores}


def _nms_forward(boxes, scores):
    n = boxes.shape[0]
    # 1) score threshold filtering (fast_rcnn_inference style)
    valid = scores > SCORE_THRESH
    masked_scores = jnp.where(valid, scores, -1.0)
    # 2) sort by descending score
    order = jnp.argsort(-masked_scores)
    b = boxes[order]
    s = masked_scores[order]
    x1, y1, x2, y2 = b[:, 0], b[:, 1], b[:, 2], b[:, 3]
    areas = (x2 - x1) * (y2 - y1)
    # 3) pairwise IoU matrix
    xx1 = jnp.maximum(x1[:, None], x1[None, :])
    yy1 = jnp.maximum(y1[:, None], y1[None, :])
    xx2 = jnp.minimum(x2[:, None], x2[None, :])
    yy2 = jnp.minimum(y2[:, None], y2[None, :])
    w = jnp.maximum(xx2 - xx1, 0.0)
    h = jnp.maximum(yy2 - yy1, 0.0)
    inter = w * h
    iou = inter / (areas[:, None] + areas[None, :] - inter + 1e-9)
    iou = jax.lax.stop_gradient(iou)  # hard suppression decisions carry no gradient
    # 4) greedy sequential suppression
    keep0 = valid[order]
    idxs = jnp.arange(n)

    def body(keep, i):
        row = iou[i]
        sup = (row > NMS_THRESH) & (idxs > i) & keep[i]
        keep = keep & (~sup)
        return keep, None

    keep, _ = jax.lax.scan(body, keep0, idxs)
    # 5) take top detections_per_img survivors
    sel = jnp.where(keep, s, -1e9)
    top_scores, top_idx = jax.lax.top_k(sel, DETS_PER_IMG)
    out_boxes = b[top_idx]
    out_scores = jnp.where(top_scores > -1e8, top_scores, 0.0)
    return jnp.concatenate([out_boxes, out_scores[:, None]], axis=1)


def reference(boxes, scores):
    return _nms_forward(boxes, scores)

if __name__ == "__main__":
    import jax
    _d = setup_inputs()
    print(jax.jit(kernel)(*tuple(_d.values())))

</pallas_src>

<mosaic_0001>
#map = affine_map<(d0, d1) -> (0)>
module attributes {stable_mosaic.version = 14 : i64} {
  func.func @_nms_body(%arg0: i32, %arg1: i32, %arg2: memref<20000xf32, #tpu.memory_space<hbm>>, %arg3: memref<5000xf32, #tpu.memory_space<hbm>>, %arg4: memref<5000xi32, #tpu.memory_space<hbm>>, %arg5: memref<500xf32, #tpu.memory_space<hbm>>, %arg6: memref<20096xf32, #tpu.memory_space<vmem>>, %arg7: memref<5024xf32, #tpu.memory_space<vmem>>, %arg8: memref<5024xi32, #tpu.memory_space<vmem>>, %arg9: memref<128xf32, #tpu.memory_space<vmem>>, %arg10: memref<128xf32, #tpu.memory_space<vmem>>, %arg11: memref<128xf32, #tpu.memory_space<vmem>>, %arg12: memref<128xf32, #tpu.memory_space<vmem>>, %arg13: memref<128xf32, #tpu.memory_space<vmem>>, %arg14: memref<128xf32, #tpu.memory_space<vmem>>, %arg15: memref<128xi32, #tpu.memory_space<vmem>>, %arg16: memref<512xf32, #tpu.memory_space<vmem>>, %arg17: memref<!tpu.dma_semaphore, #tpu.memory_space<semaphore_mem>>) attributes {dimension_semantics = [#tpu.dimension_semantics<core_parallel>, #tpu.dimension_semantics<subcore_parallel>], iteration_bounds = array<i64: 2, 16>, scalar_prefetch = 0 : i64, scratch_operands = 12 : i64, tpu.core_type = #tpu.core_type<sc_vector_subcore>, window_params = [{transform_indices = #map}, {transform_indices = #map}, {transform_indices = #map}, {transform_indices = #map}]} {
    %mul3A = arith.constant 2 : i32
    %mul3A_0 = arith.muli %arg1, %mul3A : i32
    %add3A = arith.addi %mul3A_0, %arg0 : i32
    %eq3A = arith.constant 0 : i32
    %eq3A_1 = arith.cmpi eq, %add3A, %eq3A : i32
    %convert_element_type3A = arith.extui %eq3A_1 : i1 to i32
    %cond3A = arith.constant 0 : i32
    %cond3A_2 = arith.cmpi ne, %convert_element_type3A, %cond3A : i32
    scf.if %cond3A_2 {
      %dma_start3A = arith.constant 0 : i32
      %dma_start3A_3 = tpu.memref_slice %arg6[%dma_start3A] : memref<20096xf32, #tpu.memory_space<vmem>> -> memref<20000xf32, #tpu.memory_space<vmem>>
      %dma_start3A_4 = arith.constant 0 : i32
      %dma_start3A_5 = tpu.memref_slice %arg6[%dma_start3A_4] : memref<20096xf32, #tpu.memory_space<vmem>> -> memref<20000xf32, #tpu.memory_space<vmem>>
      tpu.enqueue_dma source(%arg2 : memref<20000xf32, #tpu.memory_space<hbm>>) target(%dma_start3A_5 : memref<20000xf32, #tpu.memory_space<vmem>>) target_semaphore(%arg17 : memref<!tpu.dma_semaphore, #tpu.memory_space<semaphore_mem>>)
      %dma_start3A_6 = arith.constant 0 : i32
      %dma_start3A_7 = tpu.memref_slice %arg7[%dma_start3A_6] : memref<5024xf32, #tpu.memory_space<vmem>> -> memref<5000xf32, #tpu.memory_space<vmem>>
      %dma_start3A_8 = arith.constant 0 : i32
      %dma_start3A_9 = tpu.memref_slice %arg7[%dma_start3A_8] : memref<5024xf32, #tpu.memory_space<vmem>> -> memref<5000xf32, #tpu.memory_space<vmem>>
      tpu.enqueue_dma source(%arg3 : memref<5000xf32, #tpu.memory_space<hbm>>) target(%dma_start3A_9 : memref<5000xf32, #tpu.memory_space<vmem>>) target_semaphore(%arg17 : memref<!tpu.dma_semaphore, #tpu.memory_space<semaphore_mem>>)
      %dma_start3A_10 = arith.constant 0 : i32
      %dma_start3A_11 = tpu.memref_slice %arg8[%dma_start3A_10] : memref<5024xi32, #tpu.memory_space<vmem>> -> memref<5000xi32, #tpu.memory_space<vmem>>
      %dma_start3A_12 = arith.constant 0 : i32
      %dma_start3A_13 = tpu.memref_slice %arg8[%dma_start3A_12] : memref<5024xi32, #tpu.memory_space<vmem>> -> memref<5000xi32, #tpu.memory_space<vmem>>
      tpu.enqueue_dma source(%arg4 : memref<5000xi32, #tpu.memory_space<hbm>>) target(%dma_start3A_13 : memref<5000xi32, #tpu.memory_space<vmem>>) target_semaphore(%arg17 : memref<!tpu.dma_semaphore, #tpu.memory_space<semaphore_mem>>)
      %dma_wait3A = arith.constant 0 : i32
      %dma_wait3A_14 = tpu.memref_slice %arg6[%dma_wait3A] : memref<20096xf32, #tpu.memory_space<vmem>> -> memref<20000xf32, #tpu.memory_space<vmem>>
      %dma_wait3A_15 = arith.constant 0 : i32
      %dma_wait3A_16 = tpu.memref_slice %arg6[%dma_wait3A_15] : memref<20096xf32, #tpu.memory_space<vmem>> -> memref<20000xf32, #tpu.memory_space<vmem>>
      tpu.wait_dma2 semaphore(%arg17 : memref<!tpu.dma_semaphore, #tpu.memory_space<semaphore_mem>>) src(%arg2 : memref<20000xf32, #tpu.memory_space<hbm>>) dst(%dma_wait3A_16 : memref<20000xf32, #tpu.memory_space<vmem>>)
      %dma_wait3A_17 = arith.constant 0 : i32
      %dma_wait3A_18 = tpu.memref_slice %arg7[%dma_wait3A_17] : memref<5024xf32, #tpu.memory_space<vmem>> -> memref<5000xf32, #tpu.memory_space<vmem>>
      %dma_wait3A_19 = arith.constant 0 : i32
      %dma_wait3A_20 = tpu.memref_slice %arg7[%dma_wait3A_19] : memref<5024xf32, #tpu.memory_space<vmem>> -> memref<5000xf32, #tpu.memory_space<vmem>>
      tpu.wait_dma2 semaphore(%arg17 : memref<!tpu.dma_semaphore, #tpu.memory_space<semaphore_mem>>) src(%arg3 : memref<5000xf32, #tpu.memory_space<hbm>>) dst(%dma_wait3A_20 : memref<5000xf32, #tpu.memory_space<vmem>>)
      %dma_wait3A_21 = arith.constant 0 : i32
      %dma_wait3A_22 = tpu.memref_slice %arg8[%dma_wait3A_21] : memref<5024xi32, #tpu.memory_space<vmem>> -> memref<5000xi32, #tpu.memory_space<vmem>>
      %dma_wait3A_23 = arith.constant 0 : i32
      %dma_wait3A_24 = tpu.memref_slice %arg8[%dma_wait3A_23] : memref<5024xi32, #tpu.memory_space<vmem>> -> memref<5000xi32, #tpu.memory_space<vmem>>
      tpu.wait_dma2 semaphore(%arg17 : memref<!tpu.dma_semaphore, #tpu.memory_space<semaphore_mem>>) src(%arg4 : memref<5000xi32, #tpu.memory_space<hbm>>) dst(%dma_wait3A_24 : memref<5000xi32, #tpu.memory_space<vmem>>)
      %iota3A = tpu.iota {dimensions = array<i32: 0>} : vector<16xi32>
      %eq3A_25 = arith.constant 0 : i32
      %eq3A_26 = vector.broadcast %eq3A_25 : i32 to vector<16xi32>
      %eq3A_27 = arith.cmpi eq, %iota3A, %eq3A_26 : vector<16xi32>
      %broadcast_in_dim3A = arith.constant 0.000000e+00 : f32
      %broadcast_in_dim3A_28 = vector.broadcast %broadcast_in_dim3A : f32 to vector<16xf32>
      %lt3A = arith.constant 0 : i32
      %lt3A_29 = vector.broadcast %lt3A : i32 to vector<16xi32>
      %lt3A_30 = arith.cmpi slt, %iota3A, %lt3A_29 : vector<16xi32>
      %broadcast_in_dim3A_31 = arith.constant 3.000000e+09 : f32
      %broadcast_in_dim3A_32 = vector.broadcast %broadcast_in_dim3A_31 : f32 to vector<16xf32>
      %swap3A = arith.constant 0 : index
      %swap3A_33 = tpu.vector_load %arg9[%swap3A] {strides = array<i32>} : memref<128xf32, #tpu.memory_space<vmem>>, vector<16xf32>,
      tpu.vector_store %arg9[%swap3A], %broadcast_in_dim3A_32 {strides = array<i32>} : memref<128xf32, #tpu.memory_space<vmem>>, vector<16xf32>,
      %swap3A_34 = arith.constant 0 : index
      %swap3A_35 = tpu.vector_load %arg10[%swap3A_34] {strides = array<i32>} : memref<128xf32, #tpu.memory_space<vmem>>, vector<16xf32>,
      tpu.vector_store %arg10[%swap3A_34], %broadcast_in_dim3A_32 {strides = array<i32>} : memref<128xf32, #tpu.memory_space<vmem>>, vector<16xf32>,
      %swap3A_36 = arith.constant 0 : index
      %swap3A_37 = tpu.vector_load %arg11[%swap3A_36] {strides = array<i32>} : memref<128xf32, #tpu.memory_space<vmem>>, vector<16xf32>,
      tpu.vector_store %arg11[%swap3A_36], %broadcast_in_dim3A_32 {strides = array<i32>} : memref<128xf32, #tpu.memory_space<vmem>>, vector<16xf32>,
      %swap3A_38 = arith.constant 0 : index
      %swap3A_39 = tpu.vector_load %arg12[%swap3A_38] {strides = array<i32>} : memref<128xf32, #tpu.memory_space<vmem>>, vector<16xf32>,
      tpu.vector_store %arg12[%swap3A_38], %broadcast_in_dim3A_32 {strides = array<i32>} : memref<128xf32, #tpu.memory_space<vmem>>, vector<16xf32>,
      %swap3A_40 = arith.constant 0 : index
      %swap3A_41 = tpu.vector_load %arg13[%swap3A_40] {strides = array<i32>} : memref<128xf32, #tpu.memory_space<vmem>>, vector<16xf32>,
      tpu.vector_store %arg13[%swap3A_40], %broadcast_in_dim3A_28 {strides = array<i32>} : memref<128xf32, #tpu.memory_space<vmem>>, vector<16xf32>,
      %swap3A_42 = arith.constant 16 : index
      %swap3A_43 = tpu.vector_load %arg9[%swap3A_42] {strides = array<i32>} : memref<128xf32, #tpu.memory_space<vmem>>, vector<16xf32>,
      tpu.vector_store %arg9[%swap3A_42], %broadcast_in_dim3A_32 {strides = array<i32>} : memref<128xf32, #tpu.memory_space<vmem>>, vector<16xf32>,
      %swap3A_44 = arith.constant 16 : index
      %swap3A_45 = tpu.vector_load %arg10[%swap3A_44] {strides = array<i32>} : memref<128xf32, #tpu.memory_space<vmem>>, vector<16xf32>,
      tpu.vector_store %arg10[%swap3A_44], %broadcast_in_dim3A_32 {strides = array<i32>} : memref<128xf32, #tpu.memory_space<vmem>>, vector<16xf32>,
      %swap3A_46 = arith.constant 16 : index
      %swap3A_47 = tpu.vector_load %arg11[%swap3A_46] {strides = array<i32>} : memref<128xf32, #tpu.memory_space<vmem>>, vector<16xf32>,
      tpu.vector_store %arg11[%swap3A_46], %broadcast_in_dim3A_32 {strides = array<i32>} : memref<128xf32, #tpu.memory_space<vmem>>, vector<16xf32>,
      %swap3A_48 = arith.constant 16 : index
      %swap3A_49 = tpu.vector_load %arg12[%swap3A_48] {strides = array<i32>} : memref<128xf32, #tpu.memory_space<vmem>>, vector<16xf32>,
      tpu.vector_store %arg12[%swap3A_48], %broadcast_in_dim3A_32 {strides = array<i32>} : memref<128xf32, #tpu.memory_space<vmem>>, vector<16xf32>,
      %swap3A_50 = arith.constant 16 : index
      %swap3A_51 = tpu.vector_load %arg13[%swap3A_50] {strides = array<i32>} : memref<128xf32, #tpu.memory_space<vmem>>, vector<16xf32>,
      tpu.vector_store %arg13[%swap3A_50], %broadcast_in_dim3A_28 {strides = array<i32>} : memref<128xf32, #tpu.memory_space<vmem>>, vector<16xf32>,
      %swap3A_52 = arith.constant 32 : index
      %swap3A_53 = tpu.vector_load %arg9[%swap3A_52] {strides = array<i32>} : memref<128xf32, #tpu.memory_space<vmem>>, vector<16xf32>,
      tpu.vector_store %arg9[%swap3A_52], %broadcast_in_dim3A_32 {strides = array<i32>} : memref<128xf32, #tpu.memory_space<vmem>>, vector<16xf32>,
      %swap3A_54 = arith.constant 32 : index
      %swap3A_55 = tpu.vector_load %arg10[%swap3A_54] {strides = array<i32>} : memref<128xf32, #tpu.memory_space<vmem>>, vector<16xf32>,
      tpu.vector_store %arg10[%swap3A_54], %broadcast_in_dim3A_32 {strides = array<i32>} : memref<128xf32, #tpu.memory_space<vmem>>, vector<16xf32>,
      %swap3A_56 = arith.constant 32 : index
      %swap3A_57 = tpu.vector_load %arg11[%swap3A_56] {strides = array<i32>} : memref<128xf32, #tpu.memory_space<vmem>>, vector<16xf32>,
      tpu.vector_store %arg11[%swap3A_56], %broadcast_in_dim3A_32 {strides = array<i32>} : memref<128xf32, #tpu.memory_space<vmem>>, vector<16xf32>,
      %swap3A_58 = arith.constant 32 : index
      %swap3A_59 = tpu.vector_load %arg12[%swap3A_58] {strides = array<i32>} : memref<128xf32, #tpu.memory_space<vmem>>, vector<16xf32>,
      tpu.vector_store %arg12[%swap3A_58], %broadcast_in_dim3A_32 {strides = array<i32>} : memref<128xf32, #tpu.memory_space<vmem>>, vector<16xf32>,
      %swap3A_60 = arith.constant 32 : index
      %swap3A_61 = tpu.vector_load %arg13[%swap3A_60] {strides = array<i32>} : memref<128xf32, #tpu.memory_space<vmem>>, vector<16xf32>,
      tpu.vector_store %arg13[%swap3A_60], %broadcast_in_dim3A_28 {strides = array<i32>} : memref<128xf32, #tpu.memory_space<vmem>>, vector<16xf32>,
      %swap3A_62 = arith.constant 48 : index
      %swap3A_63 = tpu.vector_load %arg9[%swap3A_62] {strides = array<i32>} : memref<128xf32, #tpu.memory_space<vmem>>, vector<16xf32>,
      tpu.vector_store %arg9[%swap3A_62], %broadcast_in_dim3A_32 {strides = array<i32>} : memref<128xf32, #tpu.memory_space<vmem>>, vector<16xf32>,
      %swap3A_64 = arith.constant 48 : index
      %swap3A_65 = tpu.vector_load %arg10[%swap3A_64] {strides = array<i32>} : memref<128xf32, #tpu.memory_space<vmem>>, vector<16xf32>,
      tpu.vector_store %arg10[%swap3A_64], %broadcast_in_dim3A_32 {strides = array<i32>} : memref<128xf32, #tpu.memory_space<vmem>>, vector<16xf32>,
      %swap3A_66 = arith.constant 48 : index
      %swap3A_67 = tpu.vector_load %arg11[%swap3A_66] {strides = array<i32>} : memref<128xf32, #tpu.memory_space<vmem>>, vector<16xf32>,
      tpu.vector_store %arg11[%swap3A_66], %broadcast_in_dim3A_32 {strides = array<i32>} : memref<128xf32, #tpu.memory_space<vmem>>, vector<16xf32>,
      %swap3A_68 = arith.constant 48 : index
      %swap3A_69 = tpu.vector_load %arg12[%swap3A_68] {strides = array<i32>} : memref<128xf32, #tpu.memory_space<vmem>>, vector<16xf32>,
      tpu.vector_store %arg12[%swap3A_68], %broadcast_in_dim3A_32 {strides = array<i32>} : memref<128xf32, #tpu.memory_space<vmem>>, vector<16xf32>,
      %swap3A_70 = arith.constant 48 : index
      %swap3A_71 = tpu.vector_load %arg13[%swap3A_70] {strides = array<i32>} : memref<128xf32, #tpu.memory_space<vmem>>, vector<16xf32>,
      tpu.vector_store %arg13[%swap3A_70], %broadcast_in_dim3A_28 {strides = array<i32>} : memref<128xf32, #tpu.memory_space<vmem>>, vector<16xf32>,
      %swap3A_72 = arith.constant 64 : index
      %swap3A_73 = tpu.vector_load %arg9[%swap3A_72] {strides = array<i32>} : memref<128xf32, #tpu.memory_space<vmem>>, vector<16xf32>,
      tpu.vector_store %arg9[%swap3A_72], %broadcast_in_dim3A_32 {strides = array<i32>} : memref<128xf32, #tpu.memory_space<vmem>>, vector<16xf32>,
      %swap3A_74 = arith.constant 64 : index
      %swap3A_75 = tpu.vector_load %arg10[%swap3A_74] {strides = array<i32>} : memref<128xf32, #tpu.memory_space<vmem>>, vector<16xf32>,
      tpu.vector_store %arg10[%swap3A_74], %broadcast_in_dim3A_32 {strides = array<i32>} : memref<128xf32, #tpu.memory_space<vmem>>, vector<16xf32>,
      %swap3A_76 = arith.constant 64 : index
      %swap3A_77 = tpu.vector_load %arg11[%swap3A_76] {strides = array<i32>} : memref<128xf32, #tpu.memory_space<vmem>>, vector<16xf32>,
      tpu.vector_store %arg11[%swap3A_76], %broadcast_in_dim3A_32 {strides = array<i32>} : memref<128xf32, #tpu.memory_space<vmem>>, vector<16xf32>,
      %swap3A_78 = arith.constant 64 : index
      %swap3A_79 = tpu.vector_load %arg12[%swap3A_78] {strides = array<i32>} : memref<128xf32, #tpu.memory_space<vmem>>, vector<16xf32>,
      tpu.vector_store %arg12[%swap3A_78], %broadcast_in_dim3A_32 {strides = array<i32>} : memref<128xf32, #tpu.memory_space<vmem>>, vector<16xf32>,
      %swap3A_80 = arith.constant 64 : index
      %swap3A_81 = tpu.vector_load %arg13[%swap3A_80] {strides = array<i32>} : memref<128xf32, #tpu.memory_space<vmem>>, vector<16xf32>,
      tpu.vector_store %arg13[%swap3A_80], %broadcast_in_dim3A_28 {strides = array<i32>} : memref<128xf32, #tpu.memory_space<vmem>>, vector<16xf32>,
      %swap3A_82 = arith.constant 80 : index
      %swap3A_83 = tpu.vector_load %arg9[%swap3A_82] {strides = array<i32>} : memref<128xf32, #tpu.memory_space<vmem>>, vector<16xf32>,
      tpu.vector_store %arg9[%swap3A_82], %broadcast_in_dim3A_32 {strides = array<i32>} : memref<128xf32, #tpu.memory_space<vmem>>, vector<16xf32>,
      %swap3A_84 = arith.constant 80 : index
      %swap3A_85 = tpu.vector_load %arg10[%swap3A_84] {strides = array<i32>} : memref<128xf32, #tpu.memory_space<vmem>>, vector<16xf32>,
      tpu.vector_store %arg10[%swap3A_84], %broadcast_in_dim3A_32 {strides = array<i32>} : memref<128xf32, #tpu.memory_space<vmem>>, vector<16xf32>,
      %swap3A_86 = arith.constant 80 : index
      %swap3A_87 = tpu.vector_load %arg11[%swap3A_86] {strides = array<i32>} : memref<128xf32, #tpu.memory_space<vmem>>, vector<16xf32>,
      tpu.vector_store %arg11[%swap3A_86], %broadcast_in_dim3A_32 {strides = array<i32>} : memref<128xf32, #tpu.memory_space<vmem>>, vector<16xf32>,
      %swap3A_88 = arith.constant 80 : index
      %swap3A_89 = tpu.vector_load %arg12[%swap3A_88] {strides = array<i32>} : memref<128xf32, #tpu.memory_space<vmem>>, vector<16xf32>,
      tpu.vector_store %arg12[%swap3A_88], %broadcast_in_dim3A_32 {strides = array<i32>} : memref<128xf32, #tpu.memory_space<vmem>>, vector<16xf32>,
      %swap3A_90 = arith.constant 80 : index
      %swap3A_91 = tpu.vector_load %arg13[%swap3A_90] {strides = array<i32>} : memref<128xf32, #tpu.memory_space<vmem>>, vector<16xf32>,
      tpu.vector_store %arg13[%swap3A_90], %broadcast_in_dim3A_28 {strides = array<i32>} : memref<128xf32, #tpu.memory_space<vmem>>, vector<16xf32>,
      %swap3A_92 = arith.constant 96 : index
      %swap3A_93 = tpu.vector_load %arg9[%swap3A_92] {strides = array<i32>} : memref<128xf32, #tpu.memory_space<vmem>>, vector<16xf32>,
      tpu.vector_store %arg9[%swap3A_92], %broadcast_in_dim3A_32 {strides = array<i32>} : memref<128xf32, #tpu.memory_space<vmem>>, vector<16xf32>,
      %swap3A_94 = arith.constant 96 : index
      %swap3A_95 = tpu.vector_load %arg10[%swap3A_94] {strides = array<i32>} : memref<128xf32, #tpu.memory_space<vmem>>, vector<16xf32>,
      tpu.vector_store %arg10[%swap3A_94], %broadcast_in_dim3A_32 {strides = array<i32>} : memref<128xf32, #tpu.memory_space<vmem>>, vector<16xf32>,
      %swap3A_96 = arith.constant 96 : index
      %swap3A_97 = tpu.vector_load %arg11[%swap3A_96] {strides = array<i32>} : memref<128xf32, #tpu.memory_space<vmem>>, vector<16xf32>,
      tpu.vector_store %arg11[%swap3A_96], %broadcast_in_dim3A_32 {strides = array<i32>} : memref<128xf32, #tpu.memory_space<vmem>>, vector<16xf32>,
      %swap3A_98 = arith.constant 96 : index
      %swap3A_99 = tpu.vector_load %arg12[%swap3A_98] {strides = array<i32>} : memref<128xf32, #tpu.memory_space<vmem>>, vector<16xf32>,
      tpu.vector_store %arg12[%swap3A_98], %broadcast_in_dim3A_32 {strides = array<i32>} : memref<128xf32, #tpu.memory_space<vmem>>, vector<16xf32>,
      %swap3A_100 = arith.constant 96 : index
      %swap3A_101 = tpu.vector_load %arg13[%swap3A_100] {strides = array<i32>} : memref<128xf32, #tpu.memory_space<vmem>>, vector<16xf32>,
      tpu.vector_store %arg13[%swap3A_100], %broadcast_in_dim3A_28 {strides = array<i32>} : memref<128xf32, #tpu.memory_space<vmem>>, vector<16xf32>,
      %swap3A_102 = arith.constant 112 : index
      %swap3A_103 = tpu.vector_load %arg9[%swap3A_102] {strides = array<i32>} : memref<128xf32, #tpu.memory_space<vmem>>, vector<16xf32>,
      tpu.vector_store %arg9[%swap3A_102], %broadcast_in_dim3A_32 {strides = array<i32>} : memref<128xf32, #tpu.memory_space<vmem>>, vector<16xf32>,
      %swap3A_104 = arith.constant 112 : index
      %swap3A_105 = tpu.vector_load %arg10[%swap3A_104] {strides = array<i32>} : memref<128xf32, #tpu.memory_space<vmem>>, vector<16xf32>,
      tpu.vector_store %arg10[%swap3A_104], %broadcast_in_dim3A_32 {strides = array<i32>} : memref<128xf32, #tpu.memory_space<vmem>>, vector<16xf32>,
      %swap3A_106 = arith.constant 112 : index
      %swap3A_107 = tpu.vector_load %arg11[%swap3A_106] {strides = array<i32>} : memref<128xf32, #tpu.memory_space<vmem>>, vector<16xf32>,
      tpu.vector_store %arg11[%swap3A_106], %broadcast_in_dim3A_32 {strides = array<i32>} : memref<128xf32, #tpu.memory_space<vmem>>, vector<16xf32>,
      %swap3A_108 = arith.constant 112 : index
      %swap3A_109 = tpu.vector_load %arg12[%swap3A_108] {strides = array<i32>} : memref<128xf32, #tpu.memory_space<vmem>>, vector<16xf32>,
      tpu.vector_store %arg12[%swap3A_108], %broadcast_in_dim3A_32 {strides = array<i32>} : memref<128xf32, #tpu.memory_space<vmem>>, vector<16xf32>,
      %swap3A_110 = arith.constant 112 : index
      %swap3A_111 = tpu.vector_load %arg13[%swap3A_110] {strides = array<i32>} : memref<128xf32, #tpu.memory_space<vmem>>, vector<16xf32>,
      tpu.vector_store %arg13[%swap3A_110], %broadcast_in_dim3A_28 {strides = array<i32>} : memref<128xf32, #tpu.memory_space<vmem>>, vector<16xf32>,
      %while3A = arith.constant 0 : i32
      %while3A_112 = arith.constant 0 : i32
      %while3A_113 = arith.constant 0 : i32
      %while3A_114 = arith.constant 0 : i32
      %while3A_115 = arith.constant true
      %while3A_116:5 = scf.while (%while3A_345 = %while3A, %while3A_346 = %while3A_112, %while3A_347 = %while3A_113, %while3A_348 = %while3A_114, %while3A_349 = %while3A_115) : (i32, i32, i32, i32, i1) -> (i32, i32, i32, i32, i1) {
        %lt3A_350 = arith.constant 5000 : i32
        %lt3A_351 = arith.cmpi slt, %while3A_345, %lt3A_350 : i32
        %and3A = arith.andi %while3A_349, %lt3A_351 : i1
        %lt3A_352 = arith.constant 100 : i32
        %lt3A_353 = arith.cmpi slt, %while3A_346, %lt3A_352 : i32
        %and3A_354 = arith.andi %and3A, %lt3A_353 : i1
        scf.condition(%and3A_354) %while3A_345, %while3A_346, %while3A_347, %while3A_348, %while3A_349 : i32, i32, i32, i32, i1
      } do {
      ^bb0(%while3A_345: i32, %while3A_346: i32, %while3A_347: i32, %while3A_348: i32, %while3A_349: i1):
        %get3A_350 = arith.index_cast %while3A_345 : i32 to index
        %get3A_351 = tpu.vector_load %arg7[%get3A_350] {strides = array<i32>} : memref<5024xf32, #tpu.memory_space<vmem>>, vector<16xf32>,
        %slice3A = vector.extract_strided_slice %get3A_351 {offsets = [0], sizes = [1], strides = [1]} : vector<16xf32> to vector<1xf32>
        %squeeze3A = vector.extract %slice3A[0] : f32 from vector<1xf32>
        %get3A_352 = arith.index_cast %while3A_345 : i32 to index
        %get3A_353 = tpu.vector_load %arg8[%get3A_352] {strides = array<i32>} : memref<5024xi32, #tpu.memory_space<vmem>>, vector<16xi32>,
        %slice3A_354 = vector.extract_strided_slice %get3A_353 {offsets = [0], sizes = [1], strides = [1]} : vector<16xi32> to vector<1xi32>
        %squeeze3A_355 = vector.extract %slice3A_354[0] : i32 from vector<1xi32>
        %gt3A = arith.constant 5.000000e-02 : f32
        %gt3A_356 = arith.cmpf ogt, %squeeze3A, %gt3A : f32
        %broadcast_in_dim3A_357 = vector.broadcast %squeeze3A_355 : i32 to vector<16xi32>
        %mul3A_358 = arith.constant 4 : i32
        %mul3A_359 = vector.broadcast %mul3A_358 : i32 to vector<16xi32>
        %mul3A_360 = arith.muli %broadcast_in_dim3A_357, %mul3A_359 : vector<16xi32>
        %gather3A = tpu.vector_load_idx %arg6[%mul3A_360] : memref<20096xf32, #tpu.memory_space<vmem>>[vector<16xi32>], vector<16xf32>,
        %add3A_361 = arith.constant 1 : i32
        %add3A_362 = vector.broadcast %add3A_361 : i32 to vector<16xi32>
        %add3A_363 = arith.addi %mul3A_360, %add3A_362 : vector<16xi32>
        %gather3A_364 = tpu.vector_load_idx %arg6[%add3A_363] : memref<20096xf32, #tpu.memory_space<vmem>>[vector<16xi32>], vector<16xf32>,
        %add3A_365 = arith.constant 2 : i32
        %add3A_366 = vector.broadcast %add3A_365 : i32 to vector<16xi32>
        %add3A_367 = arith.addi %mul3A_360, %add3A_366 : vector<16xi32>
        %gather3A_368 = tpu.vector_load_idx %arg6[%add3A_367] : memref<20096xf32, #tpu.memory_space<vmem>>[vector<16xi32>], vector<16xf32>,
        %add3A_369 = arith.constant 3 : i32
        %add3A_370 = vector.broadcast %add3A_369 : i32 to vector<16xi32>
        %add3A_371 = arith.addi %mul3A_360, %add3A_370 : vector<16xi32>
        %gather3A_372 = tpu.vector_load_idx %arg6[%add3A_371] : memref<20096xf32, #tpu.memory_space<vmem>>[vector<16xi32>], vector<16xf32>,
        %sub3A = arith.subf %gather3A_368, %gather3A : vector<16xf32>
        %sub3A_373 = arith.subf %gather3A_372, %gather3A_364 : vector<16xf32>
        %mul3A_374 = arith.mulf %sub3A, %sub3A_373 : vector<16xf32>
        %add3A_375 = arith.constant 31 : i32
        %add3A_376 = arith.addi %while3A_346, %add3A_375 : i32
        %jit3A = arith.constant 32 : i32
        %div3A = arith.divsi %add3A_376, %jit3A : i32
        %sign3A = arith.constant 0 : i32
        %sign3A_377 = arith.cmpi sgt, %add3A_376, %sign3A : i32
        %sign3A_378 = arith.extui %sign3A_377 : i1 to i32
        %sign3A_379 = arith.constant 0 : i32
        %sign3A_380 = arith.cmpi slt, %add3A_376, %sign3A_379 : i32
        %sign3A_381 = arith.extui %sign3A_380 : i1 to i32
        %sign3A_382 = arith.subi %sign3A_378, %sign3A_381 : i32
        %sign3A_383 = arith.constant 0 : i32
        %sign3A_384 = arith.cmpi sgt, %jit3A, %sign3A_383 : i32
        %sign3A_385 = arith.extui %sign3A_384 : i1 to i32
        %sign3A_386 = arith.constant 0 : i32
        %sign3A_387 = arith.cmpi slt, %jit3A, %sign3A_386 : i32
        %sign3A_388 = arith.extui %sign3A_387 : i1 to i32
        %sign3A_389 = arith.subi %sign3A_385, %sign3A_388 : i32
        %ne3A = arith.cmpi ne, %sign3A_382, %sign3A_389 : i32
        %rem3A = arith.remsi %add3A_376, %jit3A : i32
        %ne3A_390 = arith.constant 0 : i32
        %ne3A_391 = arith.cmpi ne, %rem3A, %ne3A_390 : i32
        %and3A = arith.andi %ne3A, %ne3A_391 : i1
        %sub3A_392 = arith.constant 1 : i32
        %sub3A_393 = arith.subi %div3A, %sub3A_392 : i32
        %select_n3A_394 = arith.select %and3A, %sub3A_393, %div3A : i32
        %while3A_395 = arith.constant 0 : i32
        %while3A_396 = arith.subi %select_n3A_394, %while3A_395 : i32
        %while3A_397 = arith.addi %while3A_395, %while3A_396 : i32
        %while3A_398 = arith.constant 1 : i32
        %while3A_399 = arith.divsi %while3A_396, %while3A_398 : i32
        %while3A_400 = arith.muli %while3A_399, %while3A_398 : i32
        %while3A_401 = arith.addi %while3A_395, %while3A_400 : i32
        %while3A_402 = arith.constant 1 : i32
        %while3A_403 = scf.for %while3A_432 = %while3A_395 to %while3A_401 step %while3A_402 iter_args(%while3A_433 = %lt3A_30) -> (vector<16xi1>)  : i32 {
          %mul3A_434 = arith.constant 32 : i32
          %mul3A_435 = arith.muli %while3A_432, %mul3A_434 : i32
          %get3A_436 = arith.index_cast %mul3A_435 : i32 to index
          %get3A_437 = tpu.vector_load %arg9[%get3A_436] {strides = array<i32>} : memref<128xf32, #tpu.memory_space<vmem>>, vector<16xf32>,
          %get3A_438 = arith.index_cast %mul3A_435 : i32 to index
          %get3A_439 = tpu.vector_load %arg10[%get3A_438] {strides = array<i32>} : memref<128xf32, #tpu.memory_space<vmem>>, vector<16xf32>,
          %get3A_440 = arith.index_cast %mul3A_435 : i32 to index
          %get3A_441 = tpu.vector_load %arg11[%get3A_440] {strides = array<i32>} : memref<128xf32, #tpu.memory_space<vmem>>, vector<16xf32>,
          %get3A_442 = arith.index_cast %mul3A_435 : i32 to index
          %get3A_443 = tpu.vector_load %arg12[%get3A_442] {strides = array<i32>} : memref<128xf32, #tpu.memory_space<vmem>>, vector<16xf32>,
          %get3A_444 = arith.index_cast %mul3A_435 : i32 to index
          %get3A_445 = tpu.vector_load %arg13[%get3A_444] {strides = array<i32>} : memref<128xf32, #tpu.memory_space<vmem>>, vector<16xf32>,
          %max3A = arith.maximumf %get3A_437, %gather3A : vector<16xf32>
          %max3A_446 = arith.maximumf %get3A_439, %gather3A_364 : vector<16xf32>
          %min3A_447 = arith.minimumf %get3A_441, %gather3A_368 : vector<16xf32>
          %min3A_448 = arith.minimumf %get3A_443, %gather3A_372 : vector<16xf32>
          %sub3A_449 = arith.subf %min3A_447, %max3A : vector<16xf32>
          %max3A_450 = arith.constant 0.000000e+00 : f32
          %max3A_451 = vector.broadcast %max3A_450 : f32 to vector<16xf32>
          %max3A_452 = arith.maximumf %sub3A_449, %max3A_451 : vector<16xf32>
          %sub3A_453 = arith.subf %min3A_448, %max3A_446 : vector<16xf32>
          %max3A_454 = arith.constant 0.000000e+00 : f32
          %max3A_455 = vector.broadcast %max3A_454 : f32 to vector<16xf32>
          %max3A_456 = arith.maximumf %sub3A_453, %max3A_455 : vector<16xf32>
          %mul3A_457 = arith.mulf %max3A_452, %max3A_456 : vector<16xf32>
          %add3A_458 = arith.addf %get3A_445, %mul3A_374 : vector<16xf32>
          %sub3A_459 = arith.subf %add3A_458, %mul3A_457 : vector<16xf32>
          %add3A_460 = arith.constant 9.99999971E-10 : f32
          %add3A_461 = vector.broadcast %add3A_460 : f32 to vector<16xf32>
          %add3A_462 = arith.addf %sub3A_459, %add3A_461 : vector<16xf32>
          %div3A_463 = arith.divf %mul3A_457, %add3A_462 : vector<16xf32>
          %gt3A_464 = arith.constant 5.000000e-01 : f32
          %gt3A_465 = vector.broadcast %gt3A_464 : f32 to vector<16xf32>
          %gt3A_466 = arith.cmpf ogt, %div3A_463, %gt3A_465 : vector<16xf32>
          %or3A = arith.ori %while3A_433, %gt3A_466 : vector<16xi1>
          %add3A_467 = arith.constant 16 : i32
          %add3A_468 = arith.addi %mul3A_435, %add3A_467 : i32
          %get3A_469 = arith.index_cast %add3A_468 : i32 to index
          %get3A_470 = tpu.vector_load %arg9[%get3A_469] {strides = array<i32>} : memref<128xf32, #tpu.memory_space<vmem>>, vector<16xf32>,
          %get3A_471 = arith.index_cast %add3A_468 : i32 to index
          %get3A_472 = tpu.vector_load %arg10[%get3A_471] {strides = array<i32>} : memref<128xf32, #tpu.memory_space<vmem>>, vector<16xf32>,
          %get3A_473 = arith.index_cast %add3A_468 : i32 to index
          %get3A_474 = tpu.vector_load %arg11[%get3A_473] {strides = array<i32>} : memref<128xf32, #tpu.memory_space<vmem>>, vector<16xf32>,
          %get3A_475 = arith.index_cast %add3A_468 : i32 to index
          %get3A_476 = tpu.vector_load %arg12[%get3A_475] {strides = array<i32>} : memref<128xf32, #tpu.memory_space<vmem>>, vector<16xf32>,
          %get3A_477 = arith.index_cast %add3A_468 : i32 to index
          %get3A_478 = tpu.vector_load %arg13[%get3A_477] {strides = array<i32>} : memref<128xf32, #tpu.memory_space<vmem>>, vector<16xf32>,
          %max3A_479 = arith.maximumf %get3A_470, %gather3A : vector<16xf32>
          %max3A_480 = arith.maximumf %get3A_472, %gather3A_364 : vector<16xf32>
          %min3A_481 = arith.minimumf %get3A_474, %gather3A_368 : vector<16xf32>
          %min3A_482 = arith.minimumf %get3A_476, %gather3A_372 : vector<16xf32>
          %sub3A_483 = arith.subf %min3A_481, %max3A_479 : vector<16xf32>
          %max3A_484 = arith.constant 0.000000e+00 : f32
          %max3A_485 = vector.broadcast %max3A_484 : f32 to vector<16xf32>
          %max3A_486 = arith.maximumf %sub3A_483, %max3A_485 : vector<16xf32>
          %sub3A_487 = arith.subf %min3A_482, %max3A_480 : vector<16xf32>
          %max3A_488 = arith.constant 0.000000e+00 : f32
          %max3A_489 = vector.broadcast %max3A_488 : f32 to vector<16xf32>
          %max3A_490 = arith.maximumf %sub3A_487, %max3A_489 : vector<16xf32>
          %mul3A_491 = arith.mulf %max3A_486, %max3A_490 : vector<16xf32>
          %add3A_492 = arith.addf %get3A_478, %mul3A_374 : vector<16xf32>
          %sub3A_493 = arith.subf %add3A_492, %mul3A_491 : vector<16xf32>
          %add3A_494 = arith.constant 9.99999971E-10 : f32
          %add3A_495 = vector.broadcast %add3A_494 : f32 to vector<16xf32>
          %add3A_496 = arith.addf %sub3A_493, %add3A_495 : vector<16xf32>
          %div3A_497 = arith.divf %mul3A_491, %add3A_496 : vector<16xf32>
          %gt3A_498 = arith.constant 5.000000e-01 : f32
          %gt3A_499 = vector.broadcast %gt3A_498 : f32 to vector<16xf32>
          %gt3A_500 = arith.cmpf ogt, %div3A_497, %gt3A_499 : vector<16xf32>
          %or3A_501 = arith.ori %or3A, %gt3A_500 : vector<16xi1>
          scf.yield %or3A_501 : vector<16xi1>
        }
        %while3A_404 = arith.constant 1 : i32
        %while3A_405 = scf.for %while3A_432 = %while3A_401 to %while3A_397 step %while3A_404 iter_args(%while3A_433 = %while3A_403) -> (vector<16xi1>)  : i32 {
          %mul3A_434 = arith.constant 32 : i32
          %mul3A_435 = arith.muli %while3A_432, %mul3A_434 : i32
          %get3A_436 = arith.index_cast %mul3A_435 : i32 to index
          %get3A_437 = tpu.vector_load %arg9[%get3A_436] {strides = array<i32>} : memref<128xf32, #tpu.memory_space<vmem>>, vector<16xf32>,
          %get3A_438 = arith.index_cast %mul3A_435 : i32 to index
          %get3A_439 = tpu.vector_load %arg10[%get3A_438] {strides = array<i32>} : memref<128xf32, #tpu.memory_space<vmem>>, vector<16xf32>,
          %get3A_440 = arith.index_cast %mul3A_435 : i32 to index
          %get3A_441 = tpu.vector_load %arg11[%get3A_440] {strides = array<i32>} : memref<128xf32, #tpu.memory_space<vmem>>, vector<16xf32>,
          %get3A_442 = arith.index_cast %mul3A_435 : i32 to index
          %get3A_443 = tpu.vector_load %arg12[%get3A_442] {strides = array<i32>} : memref<128xf32, #tpu.memory_space<vmem>>, vector<16xf32>,
          %get3A_444 = arith.index_cast %mul3A_435 : i32 to index
          %get3A_445 = tpu.vector_load %arg13[%get3A_444] {strides = array<i32>} : memref<128xf32, #tpu.memory_space<vmem>>, vector<16xf32>,
          %max3A = arith.maximumf %get3A_437, %gather3A : vector<16xf32>
          %max3A_446 = arith.maximumf %get3A_439, %gather3A_364 : vector<16xf32>
          %min3A_447 = arith.minimumf %get3A_441, %gather3A_368 : vector<16xf32>
          %min3A_448 = arith.minimumf %get3A_443, %gather3A_372 : vector<16xf32>
          %sub3A_449 = arith.subf %min3A_447, %max3A : vector<16xf32>
          %max3A_450 = arith.constant 0.000000e+00 : f32
          %max3A_451 = vector.broadcast %max3A_450 : f32 to vector<16xf32>
          %max3A_452 = arith.maximumf %sub3A_449, %max3A_451 : vector<16xf32>
          %sub3A_453 = arith.subf %min3A_448, %max3A_446 : vector<16xf32>
          %max3A_454 = arith.constant 0.000000e+00 : f32
          %max3A_455 = vector.broadcast %max3A_454 : f32 to vector<16xf32>
          %max3A_456 = arith.maximumf %sub3A_453, %max3A_455 : vector<16xf32>
          %mul3A_457 = arith.mulf %max3A_452, %max3A_456 : vector<16xf32>
          %add3A_458 = arith.addf %get3A_445, %mul3A_374 : vector<16xf32>
          %sub3A_459 = arith.subf %add3A_458, %mul3A_457 : vector<16xf32>
          %add3A_460 = arith.constant 9.99999971E-10 : f32
          %add3A_461 = vector.broadcast %add3A_460 : f32 to vector<16xf32>
          %add3A_462 = arith.addf %sub3A_459, %add3A_461 : vector<16xf32>
          %div3A_463 = arith.divf %mul3A_457, %add3A_462 : vector<16xf32>
          %gt3A_464 = arith.constant 5.000000e-01 : f32
          %gt3A_465 = vector.broadcast %gt3A_464 : f32 to vector<16xf32>
          %gt3A_466 = arith.cmpf ogt, %div3A_463, %gt3A_465 : vector<16xf32>
          %or3A = arith.ori %while3A_433, %gt3A_466 : vector<16xi1>
          %add3A_467 = arith.constant 16 : i32
          %add3A_468 = arith.addi %mul3A_435, %add3A_467 : i32
          %get3A_469 = arith.index_cast %add3A_468 : i32 to index
          %get3A_470 = tpu.vector_load %arg9[%get3A_469] {strides = array<i32>} : memref<128xf32, #tpu.memory_space<vmem>>, vector<16xf32>,
          %get3A_471 = arith.index_cast %add3A_468 : i32 to index
          %get3A_472 = tpu.vector_load %arg10[%get3A_471] {strides = array<i32>} : memref<128xf32, #tpu.memory_space<vmem>>, vector<16xf32>,
          %get3A_473 = arith.index_cast %add3A_468 : i32 to index
          %get3A_474 = tpu.vector_load %arg11[%get3A_473] {strides = array<i32>} : memref<128xf32, #tpu.memory_space<vmem>>, vector<16xf32>,
          %get3A_475 = arith.index_cast %add3A_468 : i32 to index
          %get3A_476 = tpu.vector_load %arg12[%get3A_475] {strides = array<i32>} : memref<128xf32, #tpu.memory_space<vmem>>, vector<16xf32>,
          %get3A_477 = arith.index_cast %add3A_468 : i32 to index
          %get3A_478 = tpu.vector_load %arg13[%get3A_477] {strides = array<i32>} : memref<128xf32, #tpu.memory_space<vmem>>, vector<16xf32>,
          %max3A_479 = arith.maximumf %get3A_470, %gather3A : vector<16xf32>
          %max3A_480 = arith.maximumf %get3A_472, %gather3A_364 : vector<16xf32>
          %min3A_481 = arith.minimumf %get3A_474, %gather3A_368 : vector<16xf32>
          %min3A_482 = arith.minimumf %get3A_476, %gather3A_372 : vector<16xf32>
          %sub3A_483 = arith.subf %min3A_481, %max3A_479 : vector<16xf32>
          %max3A_484 = arith.constant 0.000000e+00 : f32
          %max3A_485 = vector.broadcast %max3A_484 : f32 to vector<16xf32>
          %max3A_486 = arith.maximumf %sub3A_483, %max3A_485 : vector<16xf32>
          %sub3A_487 = arith.subf %min3A_482, %max3A_480 : vector<16xf32>
          %max3A_488 = arith.constant 0.000000e+00 : f32
          %max3A_489 = vector.broadcast %max3A_488 : f32 to vector<16xf32>
          %max3A_490 = arith.maximumf %sub3A_487, %max3A_489 : vector<16xf32>
          %mul3A_491 = arith.mulf %max3A_486, %max3A_490 : vector<16xf32>
          %add3A_492 = arith.addf %get3A_478, %mul3A_374 : vector<16xf32>
          %sub3A_493 = arith.subf %add3A_492, %mul3A_491 : vector<16xf32>
          %add3A_494 = arith.constant 9.99999971E-10 : f32
          %add3A_495 = vector.broadcast %add3A_494 : f32 to vector<16xf32>
          %add3A_496 = arith.addf %sub3A_493, %add3A_495 : vector<16xf32>
          %div3A_497 = arith.divf %mul3A_491, %add3A_496 : vector<16xf32>
          %gt3A_498 = arith.constant 5.000000e-01 : f32
          %gt3A_499 = vector.broadcast %gt3A_498 : f32 to vector<16xf32>
          %gt3A_500 = arith.cmpf ogt, %div3A_497, %gt3A_499 : vector<16xf32>
          %or3A_501 = arith.ori %or3A, %gt3A_500 : vector<16xi1>
          scf.yield %or3A_501 : vector<16xi1>
        }
        %all_reduce_population_count3A = tpu.all_reduce %while3A_405 {dim = 0 : i64, kind = #tpu.reduction_kind<sum>} : vector<16xi1> -> vector<16xi32>
        %slice3A_406 = vector.extract_strided_slice %all_reduce_population_count3A {offsets = [0], sizes = [1], strides = [1]} : vector<16xi32> to vector<1xi32>
        %squeeze3A_407 = vector.extract %slice3A_406[0] : i32 from vector<1xi32>
        %gt3A_408 = arith.constant 0 : i32
        %gt3A_409 = arith.cmpi sgt, %squeeze3A_407, %gt3A_408 : i32
        %not3A = arith.constant true
        %not3A_410 = arith.xori %gt3A_409, %not3A : i1
        %and3A_411 = arith.andi %gt3A_356, %not3A_410 : i1
        %broadcast_in_dim3A_412 = vector.broadcast %while3A_346 : i32 to vector<16xi32>
        %and3A_413 = vector.broadcast %and3A_411 : i1 to vector<16xi1>
        %and3A_414 = arith.andi %eq3A_27, %and3A_413 : vector<16xi1>
        tpu.vector_store_idx %arg9[%broadcast_in_dim3A_412], %gather3A masked %and3A_414 : memref<128xf32, #tpu.memory_space<vmem>>[vector<16xi32>], vector<16xf32>, vector<16xi1>
        tpu.vector_store_idx %arg10[%broadcast_in_dim3A_412], %gather3A_364 masked %and3A_414 : memref<128xf32, #tpu.memory_space<vmem>>[vector<16xi32>], vector<16xf32>, vector<16xi1>
        tpu.vector_store_idx %arg11[%broadcast_in_dim3A_412], %gather3A_368 masked %and3A_414 : memref<128xf32, #tpu.memory_space<vmem>>[vector<16xi32>], vector<16xf32>, vector<16xi1>
        tpu.vector_store_idx %arg12[%broadcast_in_dim3A_412], %gather3A_372 masked %and3A_414 : memref<128xf32, #tpu.memory_space<vmem>>[vector<16xi32>], vector<16xf32>, vector<16xi1>
        tpu.vector_store_idx %arg13[%broadcast_in_dim3A_412], %mul3A_374 masked %and3A_414 : memref<128xf32, #tpu.memory_space<vmem>>[vector<16xi32>], vector<16xf32>, vector<16xi1>
        %broadcast_in_dim3A_415 = vector.broadcast %squeeze3A : f32 to vector<16xf32>
        tpu.vector_store_idx %arg14[%broadcast_in_dim3A_412], %broadcast_in_dim3A_415 masked %and3A_414 : memref<128xf32, #tpu.memory_space<vmem>>[vector<16xi32>], vector<16xf32>, vector<16xi1>
        %and3A_416 = arith.andi %gt3A_356, %gt3A_409 : i1
        %min3A = arith.constant 127 : i32
        %min3A_417 = arith.minsi %while3A_347, %min3A : i32
        %broadcast_in_dim3A_418 = vector.broadcast %min3A_417 : i32 to vector<16xi32>
        %broadcast_in_dim3A_419 = vector.broadcast %while3A_345 : i32 to vector<16xi32>
        %lt3A_420 = arith.constant 100 : i32
        %lt3A_421 = arith.cmpi slt, %while3A_347, %lt3A_420 : i32
        %and3A_422 = arith.andi %and3A_416, %lt3A_421 : i1
        %and3A_423 = vector.broadcast %and3A_422 : i1 to vector<16xi1>
        %and3A_424 = arith.andi %eq3A_27, %and3A_423 : vector<16xi1>
        tpu.vector_store_idx %arg15[%broadcast_in_dim3A_418], %broadcast_in_dim3A_419 masked %and3A_424 : memref<128xi32, #tpu.memory_space<vmem>>[vector<16xi32>], vector<16xi32>, vector<16xi1>
        %convert_element_type3A_425 = arith.extui %and3A_411 : i1 to i32
        %add3A_426 = arith.addi %while3A_346, %convert_element_type3A_425 : i32
        %convert_element_type3A_427 = arith.extui %and3A_416 : i1 to i32
        %add3A_428 = arith.addi %while3A_347, %convert_element_type3A_427 : i32
        %select_n3A_429 = arith.select %gt3A_356, %while3A_348, %while3A_345 : i32
        %add3A_430 = arith.constant 1 : i32
        %add3A_431 = arith.addi %while3A_345, %add3A_430 : i32
        scf.yield %add3A_431, %add3A_426, %add3A_428, %select_n3A_429, %gt3A_356 : i32, i32, i32, i32, i1
      }
      %select_n3A = arith.select %while3A_116#4, %while3A_116#0, %while3A_116#3 : i32
      %while3A_117 = arith.constant 100 : i32
      %while3A_118 = arith.constant 0 : i32
      %while3A_119 = arith.subi %while3A_117, %while3A_116#1 : i32
      %while3A_120 = arith.addi %while3A_116#1, %while3A_119 : i32
      %while3A_121 = arith.constant 1 : i32
      %while3A_122 = arith.divsi %while3A_119, %while3A_121 : i32
      %while3A_123 = arith.muli %while3A_122, %while3A_121 : i32
      %while3A_124 = arith.addi %while3A_116#1, %while3A_123 : i32
      %while3A_125 = arith.constant 1 : i32
      %while3A_126 = scf.for %while3A_345 = %while3A_116#1 to %while3A_124 step %while3A_125 iter_args(%while3A_346 = %while3A_118) -> (i32)  : i32 {
        %sub3A = arith.subi %while3A_345, %while3A_116#1 : i32
        %lt3A_347 = arith.cmpi slt, %sub3A, %while3A_116#2 : i32
        %get3A_348 = arith.index_cast %sub3A : i32 to index
        %get3A_349 = tpu.vector_load %arg15[%get3A_348] {strides = array<i32>} : memref<128xi32, #tpu.memory_space<vmem>>, vector<16xi32>,
        %slice3A = vector.extract_strided_slice %get3A_349 {offsets = [0], sizes = [1], strides = [1]} : vector<16xi32> to vector<1xi32>
        %squeeze3A = vector.extract %slice3A[0] : i32 from vector<1xi32>
        %sub3A_350 = arith.subi %sub3A, %while3A_116#2 : i32
        %add3A_351 = arith.addi %select_n3A, %sub3A_350 : i32
        %select_n3A_352 = arith.select %lt3A_347, %squeeze3A, %add3A_351 : i32
        %get3A_353 = arith.index_cast %select_n3A_352 : i32 to index
        %get3A_354 = tpu.vector_load %arg8[%get3A_353] {strides = array<i32>} : memref<5024xi32, #tpu.memory_space<vmem>>, vector<16xi32>,
        %slice3A_355 = vector.extract_strided_slice %get3A_354 {offsets = [0], sizes = [1], strides = [1]} : vector<16xi32> to vector<1xi32>
        %squeeze3A_356 = vector.extract %slice3A_355[0] : i32 from vector<1xi32>
        %broadcast_in_dim3A_357 = vector.broadcast %squeeze3A_356 : i32 to vector<16xi32>
        %mul3A_358 = arith.constant 4 : i32
        %mul3A_359 = vector.broadcast %mul3A_358 : i32 to vector<16xi32>
        %mul3A_360 = arith.muli %broadcast_in_dim3A_357, %mul3A_359 : vector<16xi32>
        %gather3A = tpu.vector_load_idx %arg6[%mul3A_360] : memref<20096xf32, #tpu.memory_space<vmem>>[vector<16xi32>], vector<16xf32>,
        %add3A_361 = arith.constant 1 : i32
        %add3A_362 = vector.broadcast %add3A_361 : i32 to vector<16xi32>
        %add3A_363 = arith.addi %mul3A_360, %add3A_362 : vector<16xi32>
        %gather3A_364 = tpu.vector_load_idx %arg6[%add3A_363] : memref<20096xf32, #tpu.memory_space<vmem>>[vector<16xi32>], vector<16xf32>,
        %add3A_365 = arith.constant 2 : i32
        %add3A_366 = vector.broadcast %add3A_365 : i32 to vector<16xi32>
        %add3A_367 = arith.addi %mul3A_360, %add3A_366 : vector<16xi32>
        %gather3A_368 = tpu.vector_load_idx %arg6[%add3A_367] : memref<20096xf32, #tpu.memory_space<vmem>>[vector<16xi32>], vector<16xf32>,
        %add3A_369 = arith.constant 3 : i32
        %add3A_370 = vector.broadcast %add3A_369 : i32 to vector<16xi32>
        %add3A_371 = arith.addi %mul3A_360, %add3A_370 : vector<16xi32>
        %gather3A_372 = tpu.vector_load_idx %arg6[%add3A_371] : memref<20096xf32, #tpu.memory_space<vmem>>[vector<16xi32>], vector<16xf32>,
        %broadcast_in_dim3A_373 = vector.broadcast %while3A_345 : i32 to vector<16xi32>
        tpu.vector_store_idx %arg9[%broadcast_in_dim3A_373], %gather3A masked %eq3A_27 : memref<128xf32, #tpu.memory_space<vmem>>[vector<16xi32>], vector<16xf32>, vector<16xi1>
        tpu.vector_store_idx %arg10[%broadcast_in_dim3A_373], %gather3A_364 masked %eq3A_27 : memref<128xf32, #tpu.memory_space<vmem>>[vector<16xi32>], vector<16xf32>, vector<16xi1>
        tpu.vector_store_idx %arg11[%broadcast_in_dim3A_373], %gather3A_368 masked %eq3A_27 : memref<128xf32, #tpu.memory_space<vmem>>[vector<16xi32>], vector<16xf32>, vector<16xi1>
        tpu.vector_store_idx %arg12[%broadcast_in_dim3A_373], %gather3A_372 masked %eq3A_27 : memref<128xf32, #tpu.memory_space<vmem>>[vector<16xi32>], vector<16xf32>, vector<16xi1>
        tpu.vector_store_idx %arg14[%broadcast_in_dim3A_373], %broadcast_in_dim3A_28 masked %eq3A_27 : memref<128xf32, #tpu.memory_space<vmem>>[vector<16xi32>], vector<16xf32>, vector<16xi1>
        %while3A_374 = arith.constant 0 : i32
        scf.yield %while3A_374 : i32
      }
      %while3A_127 = arith.constant 1 : i32
      %while3A_128 = scf.for %while3A_345 = %while3A_124 to %while3A_120 step %while3A_127 iter_args(%while3A_346 = %while3A_126) -> (i32)  : i32 {
        %sub3A = arith.subi %while3A_345, %while3A_116#1 : i32
        %lt3A_347 = arith.cmpi slt, %sub3A, %while3A_116#2 : i32
        %get3A_348 = arith.index_cast %sub3A : i32 to index
        %get3A_349 = tpu.vector_load %arg15[%get3A_348] {strides = array<i32>} : memref<128xi32, #tpu.memory_space<vmem>>, vector<16xi32>,
        %slice3A = vector.extract_strided_slice %get3A_349 {offsets = [0], sizes = [1], strides = [1]} : vector<16xi32> to vector<1xi32>
        %squeeze3A = vector.extract %slice3A[0] : i32 from vector<1xi32>
        %sub3A_350 = arith.subi %sub3A, %while3A_116#2 : i32
        %add3A_351 = arith.addi %select_n3A, %sub3A_350 : i32
        %select_n3A_352 = arith.select %lt3A_347, %squeeze3A, %add3A_351 : i32
        %get3A_353 = arith.index_cast %select_n3A_352 : i32 to index
        %get3A_354 = tpu.vector_load %arg8[%get3A_353] {strides = array<i32>} : memref<5024xi32, #tpu.memory_space<vmem>>, vector<16xi32>,
        %slice3A_355 = vector.extract_strided_slice %get3A_354 {offsets = [0], sizes = [1], strides = [1]} : vector<16xi32> to vector<1xi32>
        %squeeze3A_356 = vector.extract %slice3A_355[0] : i32 from vector<1xi32>
        %broadcast_in_dim3A_357 = vector.broadcast %squeeze3A_356 : i32 to vector<16xi32>
        %mul3A_358 = arith.constant 4 : i32
        %mul3A_359 = vector.broadcast %mul3A_358 : i32 to vector<16xi32>
        %mul3A_360 = arith.muli %broadcast_in_dim3A_357, %mul3A_359 : vector<16xi32>
        %gather3A = tpu.vector_load_idx %arg6[%mul3A_360] : memref<20096xf32, #tpu.memory_space<vmem>>[vector<16xi32>], vector<16xf32>,
        %add3A_361 = arith.constant 1 : i32
        %add3A_362 = vector.broadcast %add3A_361 : i32 to vector<16xi32>
        %add3A_363 = arith.addi %mul3A_360, %add3A_362 : vector<16xi32>
        %gather3A_364 = tpu.vector_load_idx %arg6[%add3A_363] : memref<20096xf32, #tpu.memory_space<vmem>>[vector<16xi32>], vector<16xf32>,
        %add3A_365 = arith.constant 2 : i32
        %add3A_366 = vector.broadcast %add3A_365 : i32 to vector<16xi32>
        %add3A_367 = arith.addi %mul3A_360, %add3A_366 : vector<16xi32>
        %gather3A_368 = tpu.vector_load_idx %arg6[%add3A_367] : memref<20096xf32, #tpu.memory_space<vmem>>[vector<16xi32>], vector<16xf32>,
        %add3A_369 = arith.constant 3 : i32
        %add3A_370 = vector.broadcast %add3A_369 : i32 to vector<16xi32>
        %add3A_371 = arith.addi %mul3A_360, %add3A_370 : vector<16xi32>
        %gather3A_372 = tpu.vector_load_idx %arg6[%add3A_371] : memref<20096xf32, #tpu.memory_space<vmem>>[vector<16xi32>], vector<16xf32>,
        %broadcast_in_dim3A_373 = vector.broadcast %while3A_345 : i32 to vector<16xi32>
        tpu.vector_store_idx %arg9[%broadcast_in_dim3A_373], %gather3A masked %eq3A_27 : memref<128xf32, #tpu.memory_space<vmem>>[vector<16xi32>], vector<16xf32>, vector<16xi1>
        tpu.vector_store_idx %arg10[%broadcast_in_dim3A_373], %gather3A_364 masked %eq3A_27 : memref<128xf32, #tpu.memory_space<vmem>>[vector<16xi32>], vector<16xf32>, vector<16xi1>
        tpu.vector_store_idx %arg11[%broadcast_in_dim3A_373], %gather3A_368 masked %eq3A_27 : memref<128xf32, #tpu.memory_space<vmem>>[vector<16xi32>], vector<16xf32>, vector<16xi1>
        tpu.vector_store_idx %arg12[%broadcast_in_dim3A_373], %gather3A_372 masked %eq3A_27 : memref<128xf32, #tpu.memory_space<vmem>>[vector<16xi32>], vector<16xf32>, vector<16xi1>
        tpu.vector_store_idx %arg14[%broadcast_in_dim3A_373], %broadcast_in_dim3A_28 masked %eq3A_27 : memref<128xf32, #tpu.memory_space<vmem>>[vector<16xi32>], vector<16xf32>, vector<16xi1>
        %while3A_374 = arith.constant 0 : i32
        scf.yield %while3A_374 : i32
      }
      %broadcast_in_dim3A_129 = arith.constant 0 : i32
      %broadcast_in_dim3A_130 = vector.broadcast %broadcast_in_dim3A_129 : i32 to vector<16xi32>
      %add3A_131 = arith.addi %broadcast_in_dim3A_130, %iota3A : vector<16xi32>
      %mul3A_132 = arith.constant 5 : i32
      %mul3A_133 = vector.broadcast %mul3A_132 : i32 to vector<16xi32>
      %mul3A_134 = arith.muli %add3A_131, %mul3A_133 : vector<16xi32>
      %lt3A_135 = arith.constant 100 : i32
      %lt3A_136 = vector.broadcast %lt3A_135 : i32 to vector<16xi32>
      %lt3A_137 = arith.cmpi slt, %add3A_131, %lt3A_136 : vector<16xi32>
      %get3A = arith.constant 0 : index
      %get3A_138 = tpu.vector_load %arg9[%get3A] {strides = array<i32>} : memref<128xf32, #tpu.memory_space<vmem>>, vector<16xf32>,
      tpu.vector_store_idx %arg16[%mul3A_134], %get3A_138 masked %lt3A_137 : memref<512xf32, #tpu.memory_space<vmem>>[vector<16xi32>], vector<16xf32>, vector<16xi1>
      %add3A_139 = arith.constant 1 : i32
      %add3A_140 = vector.broadcast %add3A_139 : i32 to vector<16xi32>
      %add3A_141 = arith.addi %mul3A_134, %add3A_140 : vector<16xi32>
      %get3A_142 = arith.constant 0 : index
      %get3A_143 = tpu.vector_load %arg10[%get3A_142] {strides = array<i32>} : memref<128xf32, #tpu.memory_space<vmem>>, vector<16xf32>,
      tpu.vector_store_idx %arg16[%add3A_141], %get3A_143 masked %lt3A_137 : memref<512xf32, #tpu.memory_space<vmem>>[vector<16xi32>], vector<16xf32>, vector<16xi1>
      %add3A_144 = arith.constant 2 : i32
      %add3A_145 = vector.broadcast %add3A_144 : i32 to vector<16xi32>
      %add3A_146 = arith.addi %mul3A_134, %add3A_145 : vector<16xi32>
      %get3A_147 = arith.constant 0 : index
      %get3A_148 = tpu.vector_load %arg11[%get3A_147] {strides = array<i32>} : memref<128xf32, #tpu.memory_space<vmem>>, vector<16xf32>,
      tpu.vector_store_idx %arg16[%add3A_146], %get3A_148 masked %lt3A_137 : memref<512xf32, #tpu.memory_space<vmem>>[vector<16xi32>], vector<16xf32>, vector<16xi1>
      %add3A_149 = arith.constant 3 : i32
      %add3A_150 = vector.broadcast %add3A_149 : i32 to vector<16xi32>
      %add3A_151 = arith.addi %mul3A_134, %add3A_150 : vector<16xi32>
      %get3A_152 = arith.constant 0 : index
      %get3A_153 = tpu.vector_load %arg12[%get3A_152] {strides = array<i32>} : memref<128xf32, #tpu.memory_space<vmem>>, vector<16xf32>,
      tpu.vector_store_idx %arg16[%add3A_151], %get3A_153 masked %lt3A_137 : memref<512xf32, #tpu.memory_space<vmem>>[vector<16xi32>], vector<16xf32>, vector<16xi1>
      %add3A_154 = arith.constant 4 : i32
      %add3A_155 = vector.broadcast %add3A_154 : i32 to vector<16xi32>
      %add3A_156 = arith.addi %mul3A_134, %add3A_155 : vector<16xi32>
      %get3A_157 = arith.constant 0 : index
      %get3A_158 = tpu.vector_load %arg14[%get3A_157] {strides = array<i32>} : memref<128xf32, #tpu.memory_space<vmem>>, vector<16xf32>,
      tpu.vector_store_idx %arg16[%add3A_156], %get3A_158 masked %lt3A_137 : memref<512xf32, #tpu.memory_space<vmem>>[vector<16xi32>], vector<16xf32>, vector<16xi1>
      %broadcast_in_dim3A_159 = arith.constant 16 : i32
      %broadcast_in_dim3A_160 = vector.broadcast %broadcast_in_dim3A_159 : i32 to vector<16xi32>
      %add3A_161 = arith.addi %broadcast_in_dim3A_160, %iota3A : vector<16xi32>
      %mul3A_162 = arith.constant 5 : i32
      %mul3A_163 = vector.broadcast %mul3A_162 : i32 to vector<16xi32>
      %mul3A_164 = arith.muli %add3A_161, %mul3A_163 : vector<16xi32>
      %lt3A_165 = arith.constant 100 : i32
      %lt3A_166 = vector.broadcast %lt3A_165 : i32 to vector<16xi32>
      %lt3A_167 = arith.cmpi slt, %add3A_161, %lt3A_166 : vector<16xi32>
      %get3A_168 = arith.constant 16 : index
      %get3A_169 = tpu.vector_load %arg9[%get3A_168] {strides = array<i32>} : memref<128xf32, #tpu.memory_space<vmem>>, vector<16xf32>,
      tpu.vector_store_idx %arg16[%mul3A_164], %get3A_169 masked %lt3A_167 : memref<512xf32, #tpu.memory_space<vmem>>[vector<16xi32>], vector<16xf32>, vector<16xi1>
      %add3A_170 = arith.constant 1 : i32
      %add3A_171 = vector.broadcast %add3A_170 : i32 to vector<16xi32>
      %add3A_172 = arith.addi %mul3A_164, %add3A_171 : vector<16xi32>
      %get3A_173 = arith.constant 16 : index
      %get3A_174 = tpu.vector_load %arg10[%get3A_173] {strides = array<i32>} : memref<128xf32, #tpu.memory_space<vmem>>, vector<16xf32>,
      tpu.vector_store_idx %arg16[%add3A_172], %get3A_174 masked %lt3A_167 : memref<512xf32, #tpu.memory_space<vmem>>[vector<16xi32>], vector<16xf32>, vector<16xi1>
      %add3A_175 = arith.constant 2 : i32
      %add3A_176 = vector.broadcast %add3A_175 : i32 to vector<16xi32>
      %add3A_177 = arith.addi %mul3A_164, %add3A_176 : vector<16xi32>
      %get3A_178 = arith.constant 16 : index
      %get3A_179 = tpu.vector_load %arg11[%get3A_178] {strides = array<i32>} : memref<128xf32, #tpu.memory_space<vmem>>, vector<16xf32>,
      tpu.vector_store_idx %arg16[%add3A_177], %get3A_179 masked %lt3A_167 : memref<512xf32, #tpu.memory_space<vmem>>[vector<16xi32>], vector<16xf32>, vector<16xi1>
      %add3A_180 = arith.constant 3 : i32
      %add3A_181 = vector.broadcast %add3A_180 : i32 to vector<16xi32>
      %add3A_182 = arith.addi %mul3A_164, %add3A_181 : vector<16xi32>
      %get3A_183 = arith.constant 16 : index
      %get3A_184 = tpu.vector_load %arg12[%get3A_183] {strides = array<i32>} : memref<128xf32, #tpu.memory_space<vmem>>, vector<16xf32>,
      tpu.vector_store_idx %arg16[%add3A_182], %get3A_184 masked %lt3A_167 : memref<512xf32, #tpu.memory_space<vmem>>[vector<16xi32>], vector<16xf32>, vector<16xi1>
      %add3A_185 = arith.constant 4 : i32
      %add3A_186 = vector.broadcast %add3A_185 : i32 to vector<16xi32>
      %add3A_187 = arith.addi %mul3A_164, %add3A_186 : vector<16xi32>
      %get3A_188 = arith.constant 16 : index
      %get3A_189 = tpu.vector_load %arg14[%get3A_188] {strides = array<i32>} : memref<128xf32, #tpu.memory_space<vmem>>, vector<16xf32>,
      tpu.vector_store_idx %arg16[%add3A_187], %get3A_189 masked %lt3A_167 : memref<512xf32, #tpu.memory_space<vmem>>[vector<16xi32>], vector<16xf32>, vector<16xi1>
      %broadcast_in_dim3A_190 = arith.constant 32 : i32
      %broadcast_in_dim3A_191 = vector.broadcast %broadcast_in_dim3A_190 : i32 to vector<16xi32>
      %add3A_192 = arith.addi %broadcast_in_dim3A_191, %iota3A : vector<16xi32>
      %mul3A_193 = arith.constant 5 : i32
      %mul3A_194 = vector.broadcast %mul3A_193 : i32 to vector<16xi32>
      %mul3A_195 = arith.muli %add3A_192, %mul3A_194 : vector<16xi32>
      %lt3A_196 = arith.constant 100 : i32
      %lt3A_197 = vector.broadcast %lt3A_196 : i32 to vector<16xi32>
      %lt3A_198 = arith.cmpi slt, %add3A_192, %lt3A_197 : vector<16xi32>
      %get3A_199 = arith.constant 32 : index
      %get3A_200 = tpu.vector_load %arg9[%get3A_199] {strides = array<i32>} : memref<128xf32, #tpu.memory_space<vmem>>, vector<16xf32>,
      tpu.vector_store_idx %arg16[%mul3A_195], %get3A_200 masked %lt3A_198 : memref<512xf32, #tpu.memory_space<vmem>>[vector<16xi32>], vector<16xf32>, vector<16xi1>
      %add3A_201 = arith.constant 1 : i32
      %add3A_202 = vector.broadcast %add3A_201 : i32 to vector<16xi32>
      %add3A_203 = arith.addi %mul3A_195, %add3A_202 : vector<16xi32>
      %get3A_204 = arith.constant 32 : index
      %get3A_205 = tpu.vector_load %arg10[%get3A_204] {strides = array<i32>} : memref<128xf32, #tpu.memory_space<vmem>>, vector<16xf32>,
      tpu.vector_store_idx %arg16[%add3A_203], %get3A_205 masked %lt3A_198 : memref<512xf32, #tpu.memory_space<vmem>>[vector<16xi32>], vector<16xf32>, vector<16xi1>
      %add3A_206 = arith.constant 2 : i32
      %add3A_207 = vector.broadcast %add3A_206 : i32 to vector<16xi32>
      %add3A_208 = arith.addi %mul3A_195, %add3A_207 : vector<16xi32>
      %get3A_209 = arith.constant 32 : index
      %get3A_210 = tpu.vector_load %arg11[%get3A_209] {strides = array<i32>} : memref<128xf32, #tpu.memory_space<vmem>>, vector<16xf32>,
      tpu.vector_store_idx %arg16[%add3A_208], %get3A_210 masked %lt3A_198 : memref<512xf32, #tpu.memory_space<vmem>>[vector<16xi32>], vector<16xf32>, vector<16xi1>
      %add3A_211 = arith.constant 3 : i32
      %add3A_212 = vector.broadcast %add3A_211 : i32 to vector<16xi32>
      %add3A_213 = arith.addi %mul3A_195, %add3A_212 : vector<16xi32>
      %get3A_214 = arith.constant 32 : index
      %get3A_215 = tpu.vector_load %arg12[%get3A_214] {strides = array<i32>} : memref<128xf32, #tpu.memory_space<vmem>>, vector<16xf32>,
      tpu.vector_store_idx %arg16[%add3A_213], %get3A_215 masked %lt3A_198 : memref<512xf32, #tpu.memory_space<vmem>>[vector<16xi32>], vector<16xf32>, vector<16xi1>
      %add3A_216 = arith.constant 4 : i32
      %add3A_217 = vector.broadcast %add3A_216 : i32 to vector<16xi32>
      %add3A_218 = arith.addi %mul3A_195, %add3A_217 : vector<16xi32>
      %get3A_219 = arith.constant 32 : index
      %get3A_220 = tpu.vector_load %arg14[%get3A_219] {strides = array<i32>} : memref<128xf32, #tpu.memory_space<vmem>>, vector<16xf32>,
      tpu.vector_store_idx %arg16[%add3A_218], %get3A_220 masked %lt3A_198 : memref<512xf32, #tpu.memory_space<vmem>>[vector<16xi32>], vector<16xf32>, vector<16xi1>
      %broadcast_in_dim3A_221 = arith.constant 48 : i32
      %broadcast_in_dim3A_222 = vector.broadcast %broadcast_in_dim3A_221 : i32 to vector<16xi32>
      %add3A_223 = arith.addi %broadcast_in_dim3A_222, %iota3A : vector<16xi32>
      %mul3A_224 = arith.constant 5 : i32
      %mul3A_225 = vector.broadcast %mul3A_224 : i32 to vector<16xi32>
      %mul3A_226 = arith.muli %add3A_223, %mul3A_225 : vector<16xi32>
      %lt3A_227 = arith.constant 100 : i32
      %lt3A_228 = vector.broadcast %lt3A_227 : i32 to vector<16xi32>
      %lt3A_229 = arith.cmpi slt, %add3A_223, %lt3A_228 : vector<16xi32>
      %get3A_230 = arith.constant 48 : index
      %get3A_231 = tpu.vector_load %arg9[%get3A_230] {strides = array<i32>} : memref<128xf32, #tpu.memory_space<vmem>>, vector<16xf32>,
      tpu.vector_store_idx %arg16[%mul3A_226], %get3A_231 masked %lt3A_229 : memref<512xf32, #tpu.memory_space<vmem>>[vector<16xi32>], vector<16xf32>, vector<16xi1>
      %add3A_232 = arith.constant 1 : i32
      %add3A_233 = vector.broadcast %add3A_232 : i32 to vector<16xi32>
      %add3A_234 = arith.addi %mul3A_226, %add3A_233 : vector<16xi32>
      %get3A_235 = arith.constant 48 : index
      %get3A_236 = tpu.vector_load %arg10[%get3A_235] {strides = array<i32>} : memref<128xf32, #tpu.memory_space<vmem>>, vector<16xf32>,
      tpu.vector_store_idx %arg16[%add3A_234], %get3A_236 masked %lt3A_229 : memref<512xf32, #tpu.memory_space<vmem>>[vector<16xi32>], vector<16xf32>, vector<16xi1>
      %add3A_237 = arith.constant 2 : i32
      %add3A_238 = vector.broadcast %add3A_237 : i32 to vector<16xi32>
      %add3A_239 = arith.addi %mul3A_226, %add3A_238 : vector<16xi32>
      %get3A_240 = arith.constant 48 : index
      %get3A_241 = tpu.vector_load %arg11[%get3A_240] {strides = array<i32>} : memref<128xf32, #tpu.memory_space<vmem>>, vector<16xf32>,
      tpu.vector_store_idx %arg16[%add3A_239], %get3A_241 masked %lt3A_229 : memref<512xf32, #tpu.memory_space<vmem>>[vector<16xi32>], vector<16xf32>, vector<16xi1>
      %add3A_242 = arith.constant 3 : i32
      %add3A_243 = vector.broadcast %add3A_242 : i32 to vector<16xi32>
      %add3A_244 = arith.addi %mul3A_226, %add3A_243 : vector<16xi32>
      %get3A_245 = arith.constant 48 : index
      %get3A_246 = tpu.vector_load %arg12[%get3A_245] {strides = array<i32>} : memref<128xf32, #tpu.memory_space<vmem>>, vector<16xf32>,
      tpu.vector_store_idx %arg16[%add3A_244], %get3A_246 masked %lt3A_229 : memref<512xf32, #tpu.memory_space<vmem>>[vector<16xi32>], vector<16xf32>, vector<16xi1>
      %add3A_247 = arith.constant 4 : i32
      %add3A_248 = vector.broadcast %add3A_247 : i32 to vector<16xi32>
      %add3A_249 = arith.addi %mul3A_226, %add3A_248 : vector<16xi32>
      %get3A_250 = arith.constant 48 : index
      %get3A_251 = tpu.vector_load %arg14[%get3A_250] {strides = array<i32>} : memref<128xf32, #tpu.memory_space<vmem>>, vector<16xf32>,
      tpu.vector_store_idx %arg16[%add3A_249], %get3A_251 masked %lt3A_229 : memref<512xf32, #tpu.memory_space<vmem>>[vector<16xi32>], vector<16xf32>, vector<16xi1>
      %broadcast_in_dim3A_252 = arith.constant 64 : i32
      %broadcast_in_dim3A_253 = vector.broadcast %broadcast_in_dim3A_252 : i32 to vector<16xi32>
      %add3A_254 = arith.addi %broadcast_in_dim3A_253, %iota3A : vector<16xi32>
      %mul3A_255 = arith.constant 5 : i32
      %mul3A_256 = vector.broadcast %mul3A_255 : i32 to vector<16xi32>
      %mul3A_257 = arith.muli %add3A_254, %mul3A_256 : vector<16xi32>
      %lt3A_258 = arith.constant 100 : i32
      %lt3A_259 = vector.broadcast %lt3A_258 : i32 to vector<16xi32>
      %lt3A_260 = arith.cmpi slt, %add3A_254, %lt3A_259 : vector<16xi32>
      %get3A_261 = arith.constant 64 : index
      %get3A_262 = tpu.vector_load %arg9[%get3A_261] {strides = array<i32>} : memref<128xf32, #tpu.memory_space<vmem>>, vector<16xf32>,
      tpu.vector_store_idx %arg16[%mul3A_257], %get3A_262 masked %lt3A_260 : memref<512xf32, #tpu.memory_space<vmem>>[vector<16xi32>], vector<16xf32>, vector<16xi1>
      %add3A_263 = arith.constant 1 : i32
      %add3A_264 = vector.broadcast %add3A_263 : i32 to vector<16xi32>
      %add3A_265 = arith.addi %mul3A_257, %add3A_264 : vector<16xi32>
      %get3A_266 = arith.constant 64 : index
      %get3A_267 = tpu.vector_load %arg10[%get3A_266] {strides = array<i32>} : memref<128xf32, #tpu.memory_space<vmem>>, vector<16xf32>,
      tpu.vector_store_idx %arg16[%add3A_265], %get3A_267 masked %lt3A_260 : memref<512xf32, #tpu.memory_space<vmem>>[vector<16xi32>], vector<16xf32>, vector<16xi1>
      %add3A_268 = arith.constant 2 : i32
      %add3A_269 = vector.broadcast %add3A_268 : i32 to vector<16xi32>
      %add3A_270 = arith.addi %mul3A_257, %add3A_269 : vector<16xi32>
      %get3A_271 = arith.constant 64 : index
      %get3A_272 = tpu.vector_load %arg11[%get3A_271] {strides = array<i32>} : memref<128xf32, #tpu.memory_space<vmem>>, vector<16xf32>,
      tpu.vector_store_idx %arg16[%add3A_270], %get3A_272 masked %lt3A_260 : memref<512xf32, #tpu.memory_space<vmem>>[vector<16xi32>], vector<16xf32>, vector<16xi1>
      %add3A_273 = arith.constant 3 : i32
      %add3A_274 = vector.broadcast %add3A_273 : i32 to vector<16xi32>
      %add3A_275 = arith.addi %mul3A_257, %add3A_274 : vector<16xi32>
      %get3A_276 = arith.constant 64 : index
      %get3A_277 = tpu.vector_load %arg12[%get3A_276] {strides = array<i32>} : memref<128xf32, #tpu.memory_space<vmem>>, vector<16xf32>,
      tpu.vector_store_idx %arg16[%add3A_275], %get3A_277 masked %lt3A_260 : memref<512xf32, #tpu.memory_space<vmem>>[vector<16xi32>], vector<16xf32>, vector<16xi1>
      %add3A_278 = arith.constant 4 : i32
      %add3A_279 = vector.broadcast %add3A_278 : i32 to vector<16xi32>
      %add3A_280 = arith.addi %mul3A_257, %add3A_279 : vector<16xi32>
      %get3A_281 = arith.constant 64 : index
      %get3A_282 = tpu.vector_load %arg14[%get3A_281] {strides = array<i32>} : memref<128xf32, #tpu.memory_space<vmem>>, vector<16xf32>,
      tpu.vector_store_idx %arg16[%add3A_280], %get3A_282 masked %lt3A_260 : memref<512xf32, #tpu.memory_space<vmem>>[vector<16xi32>], vector<16xf32>, vector<16xi1>
      %broadcast_in_dim3A_283 = arith.constant 80 : i32
      %broadcast_in_dim3A_284 = vector.broadcast %broadcast_in_dim3A_283 : i32 to vector<16xi32>
      %add3A_285 = arith.addi %broadcast_in_dim3A_284, %iota3A : vector<16xi32>
      %mul3A_286 = arith.constant 5 : i32
      %mul3A_287 = vector.broadcast %mul3A_286 : i32 to vector<16xi32>
      %mul3A_288 = arith.muli %add3A_285, %mul3A_287 : vector<16xi32>
      %lt3A_289 = arith.constant 100 : i32
      %lt3A_290 = vector.broadcast %lt3A_289 : i32 to vector<16xi32>
      %lt3A_291 = arith.cmpi slt, %add3A_285, %lt3A_290 : vector<16xi32>
      %get3A_292 = arith.constant 80 : index
      %get3A_293 = tpu.vector_load %arg9[%get3A_292] {strides = array<i32>} : memref<128xf32, #tpu.memory_space<vmem>>, vector<16xf32>,
      tpu.vector_store_idx %arg16[%mul3A_288], %get3A_293 masked %lt3A_291 : memref<512xf32, #tpu.memory_space<vmem>>[vector<16xi32>], vector<16xf32>, vector<16xi1>
      %add3A_294 = arith.constant 1 : i32
      %add3A_295 = vector.broadcast %add3A_294 : i32 to vector<16xi32>
      %add3A_296 = arith.addi %mul3A_288, %add3A_295 : vector<16xi32>
      %get3A_297 = arith.constant 80 : index
      %get3A_298 = tpu.vector_load %arg10[%get3A_297] {strides = array<i32>} : memref<128xf32, #tpu.memory_space<vmem>>, vector<16xf32>,
      tpu.vector_store_idx %arg16[%add3A_296], %get3A_298 masked %lt3A_291 : memref<512xf32, #tpu.memory_space<vmem>>[vector<16xi32>], vector<16xf32>, vector<16xi1>
      %add3A_299 = arith.constant 2 : i32
      %add3A_300 = vector.broadcast %add3A_299 : i32 to vector<16xi32>
      %add3A_301 = arith.addi %mul3A_288, %add3A_300 : vector<16xi32>
      %get3A_302 = arith.constant 80 : index
      %get3A_303 = tpu.vector_load %arg11[%get3A_302] {strides = array<i32>} : memref<128xf32, #tpu.memory_space<vmem>>, vector<16xf32>,
      tpu.vector_store_idx %arg16[%add3A_301], %get3A_303 masked %lt3A_291 : memref<512xf32, #tpu.memory_space<vmem>>[vector<16xi32>], vector<16xf32>, vector<16xi1>
      %add3A_304 = arith.constant 3 : i32
      %add3A_305 = vector.broadcast %add3A_304 : i32 to vector<16xi32>
      %add3A_306 = arith.addi %mul3A_288, %add3A_305 : vector<16xi32>
      %get3A_307 = arith.constant 80 : index
      %get3A_308 = tpu.vector_load %arg12[%get3A_307] {strides = array<i32>} : memref<128xf32, #tpu.memory_space<vmem>>, vector<16xf32>,
      tpu.vector_store_idx %arg16[%add3A_306], %get3A_308 masked %lt3A_291 : memref<512xf32, #tpu.memory_space<vmem>>[vector<16xi32>], vector<16xf32>, vector<16xi1>
      %add3A_309 = arith.constant 4 : i32
      %add3A_310 = vector.broadcast %add3A_309 : i32 to vector<16xi32>
      %add3A_311 = arith.addi %mul3A_288, %add3A_310 : vector<16xi32>
      %get3A_312 = arith.constant 80 : index
      %get3A_313 = tpu.vector_load %arg14[%get3A_312] {strides = array<i32>} : memref<128xf32, #tpu.memory_space<vmem>>, vector<16xf32>,
      tpu.vector_store_idx %arg16[%add3A_311], %get3A_313 masked %lt3A_291 : memref<512xf32, #tpu.memory_space<vmem>>[vector<16xi32>], vector<16xf32>, vector<16xi1>
      %broadcast_in_dim3A_314 = arith.constant 96 : i32
      %broadcast_in_dim3A_315 = vector.broadcast %broadcast_in_dim3A_314 : i32 to vector<16xi32>
      %add3A_316 = arith.addi %broadcast_in_dim3A_315, %iota3A : vector<16xi32>
      %mul3A_317 = arith.constant 5 : i32
      %mul3A_318 = vector.broadcast %mul3A_317 : i32 to vector<16xi32>
      %mul3A_319 = arith.muli %add3A_316, %mul3A_318 : vector<16xi32>
      %lt3A_320 = arith.constant 100 : i32
      %lt3A_321 = vector.broadcast %lt3A_320 : i32 to vector<16xi32>
      %lt3A_322 = arith.cmpi slt, %add3A_316, %lt3A_321 : vector<16xi32>
      %get3A_323 = arith.constant 96 : index
      %get3A_324 = tpu.vector_load %arg9[%get3A_323] {strides = array<i32>} : memref<128xf32, #tpu.memory_space<vmem>>, vector<16xf32>,
      tpu.vector_store_idx %arg16[%mul3A_319], %get3A_324 masked %lt3A_322 : memref<512xf32, #tpu.memory_space<vmem>>[vector<16xi32>], vector<16xf32>, vector<16xi1>
      %add3A_325 = arith.constant 1 : i32
      %add3A_326 = vector.broadcast %add3A_325 : i32 to vector<16xi32>
      %add3A_327 = arith.addi %mul3A_319, %add3A_326 : vector<16xi32>
      %get3A_328 = arith.constant 96 : index
      %get3A_329 = tpu.vector_load %arg10[%get3A_328] {strides = array<i32>} : memref<128xf32, #tpu.memory_space<vmem>>, vector<16xf32>,
      tpu.vector_store_idx %arg16[%add3A_327], %get3A_329 masked %lt3A_322 : memref<512xf32, #tpu.memory_space<vmem>>[vector<16xi32>], vector<16xf32>, vector<16xi1>
      %add3A_330 = arith.constant 2 : i32
      %add3A_331 = vector.broadcast %add3A_330 : i32 to vector<16xi32>
      %add3A_332 = arith.addi %mul3A_319, %add3A_331 : vector<16xi32>
      %get3A_333 = arith.constant 96 : index
      %get3A_334 = tpu.vector_load %arg11[%get3A_333] {strides = array<i32>} : memref<128xf32, #tpu.memory_space<vmem>>, vector<16xf32>,
      tpu.vector_store_idx %arg16[%add3A_332], %get3A_334 masked %lt3A_322 : memref<512xf32, #tpu.memory_space<vmem>>[vector<16xi32>], vector<16xf32>, vector<16xi1>
      %add3A_335 = arith.constant 3 : i32
      %add3A_336 = vector.broadcast %add3A_335 : i32 to vector<16xi32>
      %add3A_337 = arith.addi %mul3A_319, %add3A_336 : vector<16xi32>
      %get3A_338 = arith.constant 96 : index
      %get3A_339 = tpu.vector_load %arg12[%get3A_338] {strides = array<i32>} : memref<128xf32, #tpu.memory_space<vmem>>, vector<16xf32>,
      tpu.vector_store_idx %arg16[%add3A_337], %get3A_339 masked %lt3A_322 : memref<512xf32, #tpu.memory_space<vmem>>[vector<16xi32>], vector<16xf32>, vector<16xi1>
      %add3A_340 = arith.constant 4 : i32
      %add3A_341 = vector.broadcast %add3A_340 : i32 to vector<16xi32>
      %add3A_342 = arith.addi %mul3A_319, %add3A_341 : vector<16xi32>
      %get3A_343 = arith.constant 96 : index
      %get3A_344 = tpu.vector_load %arg14[%get3A_343] {strides = array<i32>} : memref<128xf32, #tpu.memory_space<vmem>>, vector<16xf32>,
      tpu.vector_store_idx %arg16[%add3A_342], %get3A_344 masked %lt3A_322 : memref<512xf32, #tpu.memory_space<vmem>>[vector<16xi32>], vector<16xf32>, vector<16xi1>
      "tpu.region"() ({
        %run_scoped3A = tpu.sem_alloc : memref<!tpu.dma_semaphore, #tpu.memory_space<semaphore_mem>>
        %dma_start3A_345 = arith.constant 0 : i32
        %dma_start3A_346 = tpu.memref_slice %arg16[%dma_start3A_345] : memref<512xf32, #tpu.memory_space<vmem>> -> memref<500xf32, #tpu.memory_space<vmem>>
        %dma_start3A_347 = arith.constant 0 : i32
        %dma_start3A_348 = tpu.memref_slice %arg16[%dma_start3A_347] : memref<512xf32, #tpu.memory_space<vmem>> -> memref<500xf32, #tpu.memory_space<vmem>>
        tpu.enqueue_dma source(%dma_start3A_348 : memref<500xf32, #tpu.memory_space<vmem>>) target(%arg5 : memref<500xf32, #tpu.memory_space<hbm>>) target_semaphore(%run_scoped3A : memref<!tpu.dma_semaphore, #tpu.memory_space<semaphore_mem>>)
        %dma_wait3A_349 = arith.constant 0 : i32
        %dma_wait3A_350 = tpu.memref_slice %arg16[%dma_wait3A_349] : memref<512xf32, #tpu.memory_space<vmem>> -> memref<500xf32, #tpu.memory_space<vmem>>
        %dma_wait3A_351 = arith.constant 0 : i32
        %dma_wait3A_352 = tpu.memref_slice %arg16[%dma_wait3A_351] : memref<512xf32, #tpu.memory_space<vmem>> -> memref<500xf32, #tpu.memory_space<vmem>>
        tpu.wait_dma2 semaphore(%run_scoped3A : memref<!tpu.dma_semaphore, #tpu.memory_space<semaphore_mem>>) src(%dma_wait3A_352 : memref<500xf32, #tpu.memory_space<vmem>>) dst(%arg5 : memref<500xf32, #tpu.memory_space<hbm>>)
        tpu.yield
      }) : () -> ()
    } else {
    }
    return
  }
}

</mosaic_0001>

<sc_bundles>
// kernel: _sc_nms.3.cloned.1.call-start
scs
__scs_entry_jumppad:
0x0: {  	(pc) =	sbr.rel $0x88, $3  }
0x1: {  	(tag) =	ssettag $0x0;
	lr =	simm.s32 $0x1  }
0x2: {  	[smem:$0x3F9E] =	sst lr;
	_ =	strace $0xD0000000  }
0x3: {  	_ = 	snop  }
0x4: {  	_ = 	snop  }
0x5: {  	_ = 	snop  }
0x6: {  	_ = 	snop  }
0x7: {  	_ = 	snop  }
__scs_overlays_trampoline_lowered:
0x8: {  	[smem:$0x3FAD] =	sst s0  }
0x9: {  	[smem:$0x3FAE] =	sst s1  }
0xa: {  	[smem:$0x3FAF] =	sst s2  }
0xb: {  	[smem:$0x3FB0] =	sst s3  }
0xc: {  	[smem:$0x3FB1] =	sst s4  }
0xd: {  	[smem:$0x3FB2] =	sst s5  }
0xe: {  	[smem:$0x3FB3] =	sst s6  }
0xf: {  	[smem:$0x3FB4] =	sst s7  }
0x10: {  	[smem:$0x3FB5] =	sst s8  }
0x11: {  	[smem:$0x3FB6] =	sst s9;
	s0 =	simm.s32 @!p0 $0x0  }
0x12: {  	s1 =	sld [smem:$0x3F9C];
	s0 =	simm.s32 @p0 $0x1  }
0x13: {  	[smem:$0x3FB7] =	sst s0;
	s0 =	simm.s32 @!p1 $0x0  }
0x14: {  	s2 =	sld [smem:$0x3F9B];
	s0 =	simm.s32 @p1 $0x1  }
0x15: {  	[smem:$0x3FB8] =	sst s0;
	s0 =	simm.s32 @!p2 $0x0  }
0x16: {  	s3 =	sld [smem:$0x3FDB];
	s0 =	simm.s32 @p2 $0x1  }
0x17: {  	s4 =	simm.s32 $0x1BF5;
	[smem:$0x3FBA] =	sst s0  }
0x18: {  	s0 =	sld [smem:$0x3F9D];
	_ =	swait.ge [sflag:s4], $0x0  }
0x19: {  	s7 =	sld [smem:$0x3F9E]  }
0x1a: {  	s8 =	sadd.s32 $0xFFFFE003, lr  }
0x1b: {  	s9 =	sadd.s32 $0xFFFFFEF7, lr;
	s5 =	simm.s32 $0xFFFFFFFF;
	p2 =	slt.u32 s8, $0xFFFFF086  }
0x1c: {  	p1 =	slt.u32 s9, $0xF7A;
	s5 =	simm.s32 @!p2 $0x0  }
0x1d: {  	s5 =	simm.s32 @p1 $0x1;
	p0 =	seq.s32 s7, s2  }
0x1e: {  	s7 =	smul.u32 @!p0 $0xF7A, s2;
	p2 =	seq.s32 @!p0 s5, $0x0  }
0x1f: {  	s9 =	smul.u32 $0xF7A, s1;
	s8 =	simm.s32 @!p0 $0x1BF5;
	p2 =	por !p2, p0  }
0x20: {  	[sflag:s8] =	ssyncset.s32 @!p0 $0xFFFFF086;
	s6 =	sadd.s32 @!p0 s3, s7;
	s7 =	simm.s32 @!p0 $0x108  }
0x21: {  	s3 =	sadd.s32 s3, s9;
	s6 =	sadd.s32 @!p0 $0x88, s6;
	s7 =	simm.s32 @p2 $0x1082  }
0x22: {  	[simem:s7], [sflag:s8] =	dma.local @!p0 [hbm:s6], $0xF7A  }
0x23: {  	s9 =	sor.u32 $0xD0000000, s2;
	s6 =	simm.s32 $0x108;
	_ =	swait.ge @!p0 [sflag:s8], $0x0  }
0x24: {  	s3 =	sadd.s32 $0x88, s3;
	s6 =	simm.s32 @!p1 $0x1082;
	[sflag:s4] =	ssyncset.s32 $0xFFFFF086  }
0x25: {  	[simem:s6], [sflag:s4] =	dma.local [hbm:s3], $0xF7A  }
0x26: {  	[smem:$0x3F9E] =	sst s1;
	(tag) =	ssettag s2;
	_ =	strace s9  }
0x27: {  	s1 =	sld [smem:$0x3FAE]  }
0x28: {  	s2 =	sld [smem:$0x3FAF]  }
0x29: {  	s4 =	sld [smem:$0x3FB1]  }
0x2a: {  	p0 =	seq.s32 s5, $0x0;
	s5 =	sld [smem:$0x3FB2]  }
0x2b: {  	s6 =	sld [smem:$0x3FB3]  }
0x2c: {  	s7 =	sld [smem:$0x3FB4]  }
0x2d: {  	s3 =	simm.s32 $0x108;
	s8 =	sld [smem:$0x3FB5]  }
0x2e: {  	s3 =	simm.s32 @!p0 $0x1082;
	s9 =	sld [smem:$0x3FB6]  }
0x2f: {  	lr =	sadd.s32 s0, s3;
	s0 =	sld [smem:$0x3FAD]  }
0x30: {  	s3 =	sld [smem:$0x3FB0]  }
0x31: {  	[smem:$0x3FB9] =	sst s10  }
0x32: {  	s10 =	sld [smem:$0x3FB7];
	_ =	sdelay $0x3  }
0x33: {  	p0 =	seq.s32 s10, $0x1;
	s10 =	sld [smem:$0x3FB9];
	_ =	sdelay $0x3  }
0x34: {  	[smem:$0x3FB9] =	sst s10  }
0x35: {  	s10 =	sld [smem:$0x3FB8];
	_ =	sdelay $0x3  }
0x36: {  	p1 =	seq.s32 s10, $0x1;
	s10 =	sld [smem:$0x3FB9];
	_ =	sdelay $0x3  }
0x37: {  	[smem:$0x3FB9] =	sst s10  }
0x38: {  	s10 =	sld [smem:$0x3FBA]  }
0x39: {  	_ = 	snop;
	(pc) =	sbr.ind lr, $3  }
0x3a: {  	_ = 	snop  }
0x3b: {  	_ = 	snop  }
0x3c: {  	p2 =	seq.s32 s10, $0x1;
	s10 =	sld [smem:$0x3FB9]  }
0x3d: {  	_ =	shalt  }
0x3e: {  	_ =	shalt  }
0x3f: {  	_ =	shalt  }
0x40: {  	_ =	shalt  }
0x41: {  	_ =	shalt  }
0x42: {  	_ =	shalt  }
0x43: {  	_ =	shalt  }
0x44: {  	_ =	shalt  }
0x45: {  	_ =	shalt  }
0x46: {  	_ =	shalt  }
0x47: {  	_ =	shalt  }
0x48: {  	_ =	shalt  }
0x49: {  	_ =	shalt  }
0x4a: {  	_ =	shalt  }
0x4b: {  	_ =	shalt  }
0x4c: {  	_ =	shalt  }
0x4d: {  	_ =	shalt  }
0x4e: {  	_ =	shalt  }
0x4f: {  	_ =	shalt  }
0x50: {  	_ =	shalt  }
0x51: {  	_ =	shalt  }
0x52: {  	_ =	shalt  }
0x53: {  	_ =	shalt  }
0x54: {  	_ =	shalt  }
0x55: {  	_ =	shalt  }
0x56: {  	_ =	shalt  }
0x57: {  	_ =	shalt  }
0x58: {  	_ =	shalt  }
0x59: {  	_ =	shalt  }
0x5a: {  	_ =	shalt  }
0x5b: {  	_ =	shalt  }
0x5c: {  	_ =	shalt  }
0x5d: {  	_ =	shalt  }
0x5e: {  	_ =	shalt  }
0x5f: {  	_ =	shalt  }
0x60: {  	_ =	shalt  }
0x61: {  	_ =	shalt  }
0x62: {  	_ =	shalt  }
0x63: {  	_ =	shalt  }
0x64: {  	_ =	shalt  }
0x65: {  	_ =	shalt  }
0x66: {  	_ =	shalt  }
0x67: {  	_ =	shalt  }
0x68: {  	_ =	shalt  }
0x69: {  	_ =	shalt  }
0x6a: {  	_ =	shalt  }
0x6b: {  	_ =	shalt  }
0x6c: {  	_ =	shalt  }
0x6d: {  	_ =	shalt  }
0x6e: {  	_ =	shalt  }
0x6f: {  	_ =	shalt  }
0x70: {  	_ =	shalt  }
0x71: {  	_ =	shalt  }
0x72: {  	_ =	shalt  }
0x73: {  	_ =	shalt  }
0x74: {  	_ =	shalt  }
0x75: {  	_ =	shalt  }
0x76: {  	_ =	shalt  }
0x77: {  	_ =	shalt  }
0x78: {  	_ =	shalt  }
0x79: {  	_ =	shalt  }
0x7a: {  	_ =	shalt  }
0x7b: {  	_ =	shalt  }
0x7c: {  	_ =	shalt  }
0x7d: {  	_ =	shalt  }
0x7e: {  	_ =	shalt  }
0x7f: {  	_ =	shalt  }
0x80: {  	_ =	shalt  }
0x81: {  	_ =	shalt  }
0x82: {  	_ =	shalt  }
0x83: {  	_ =	shalt  }
0x84: {  	_ =	shalt  }
0x85: {  	_ =	shalt  }
0x86: {  	_ =	shalt  }
0x87: {  	_ =	shalt  }
.Lfunc_end0:
.L_simem_size_0:
called_computation_lowered:
.L_overlay_start_0:
0x88: {  	s2 =	sld [smem:$0x3FD9]  }
0x89: {  	s3 =	sld [smem:$0x3FFE];
	_ =	sdelay $0x1  }
0x8a: {  	s1 =	srdreg.scid  }
0x8b: {  	s0 =	sand.u32 $0x1, s1  }
0x8c: {  	s18 =	sshll.u32 s0, $0xA;
	s2 =	sadd.s32 s3, s2  }
0x8d: {  	s2 =	sadd.s32 s2, s18  }
0x8e: {  	[smem:$0x3FC5] =	sst s2  }
0x8f: {  	_ = 	snop  }
0x90: {  	s2 =	sld [smem:$0x3FC9]  }
0x91: {  	s19 =	sld [smem:$0x3FC8]  }
0x92: {  	s4 =	sld [smem:$0x3FC7]  }
0x93: {  	s5 =	sld [smem:$0x3FD0];
	(tm) =	ssettm $0x1  }
0x94: {  	s6 =	sld [smem:$0x3FFB];
	_ =	sdelay $0x3  }
0x95: {  	_ =	strace s6  }
0x96: {  	s6 =	sld [smem:$0x3FFC];
	_ =	sdelay $0x3  }
0x97: {  	_ =	strace s6  }
0x98: {  	s6 =	sld [smem:$0x3FFD];
	_ =	sdelay $0x3  }
0x99: {  	_ =	strace s6  }
0x9a: {  	_ =	strace $0x8FFFFFFF  }
0x9b: {  	s20 =	sld [smem:$0x3FDB];
	_ =	sdelay $0x1  }
0x9c: {  	s7 =	simm.s32 $_scs_section_size  }
0x9d: {  	s8 =	simm.s32 $_size__tile_overlayer_lowered;
	s9 =	simm.s32 $_tile_overlayer_lowered  }
0x9e: {  	s23 =	simm.s32 $0x1BFF;
	s22 =	sshll.u32 s9, $0x1;
	s6 =	sadd.s32 s7, s20  }
0x9f: {  	s10 =	simm.s32 $0x0;
	s21 =	sshll.u32 s8, $0x1;
	s8 =	sadd.s32 s22, s6  }
0xa0: {  	[timem:s10], [sflag:s23] =	dma.local [hbm:s8], s21  }
0xa1: {  	_ =	swait.ge [sflag:s23], s21  }
0xa2: {  	s7 =	ssub.s32 $0x0, s21;
	[sflag:s23] =	ssyncset.done $0x0  }
0xa3: {  	[sflag:s23] =	ssyncadd.s32 s7;
	_ =	sdelay $0x1  }
0xa4: {  	s24 =	simm.s32 $0x1B8B  }
0xa5: {  	_ =	swait.ge [sflag:s24], $0x1  }
0xa6: {  	[sflag:s24] =	ssyncset.done $0x0  }
0xa7: {  	s25 =	simm.s32 $0x1B8E;
	[sflag:s24] =	ssyncadd.s32 $0xFFFFFFFF  }
0xa8: {  	s26 =	simm.s32 $execute0_lowered;
	[smem:$0x3FD2] =	sst s25  }
0xa9: {  	s7 =	sshll.u32 s26, $0x1;
	_ =	strace $0x80000046;
	[dreg:$0x1] =	wrdreg $0xFFFFFFFF  }
0xaa: {  	s28 =	simm.s32 $_size_execute0_lowered;
	s6 =	sadd.s32 s6, s7;
	[dreg:$0x0] =	wrdreg $0x0  }
0xab: {  	s7 =	sshll.u32 s28, $0x1;
	[dreg:$0x2] =	wrdreg s6  }
0xac: {  	[dreg:$0x3] =	wrdreg s7  }
0xad: {  	[dreg:$0x4] =	wrdreg $0xC0  }
0xae: {  	_ =	task [dreg:s10], $0x5FFFF  }
0xaf: {  	[dreg:$0x1] =	wrdreg $0xFFFFFFFF  }
0xb0: {  	[dreg:$0x0] =	wrdreg $0x60  }
0xb1: {  	[dreg:$0x2] =	wrdreg s2  }
0xb2: {  	[dreg:$0x3] =	wrdreg s19  }
0xb3: {  	[dreg:$0x4] =	wrdreg s4  }
0xb4: {  	[dreg:$0x5] =	wrdreg s5  }
0xb5: {  	[dreg:$0x6] =	wrdreg $0x9  }
0xb6: {  	_ =	task.clear_ibuf [dreg:s10], $0x7FFFF;
	_ =	strace $0x90000046  }
0xb7: {  	s29 =	simm.s32 $0x9;
	_ =	strace $0x80000048  }
0xb8: {  	_ =	swait.ge [sflag:s29], $0x1  }
0xb9: {  	[sflag:s29] =	ssyncadd.s32 $0xFFFFFFFF  }
0xba: {  	_ =	strace $0x90000048  }
0xbb: {  	_ =	sfence  }
0xbc: {  	s30 =	sld [smem:$0x0];
	_ =	sdelay $0x2  }
0xbd: {  	s31 =	sshll.u32 s1, $0xD;
	s1 =	sshrl.u32 s1, $0x2  }
0xbe: {  	s3 =	sand.u32 $0x4000, s31;
	s1 =	sadd.s32 s1, s30  }
0xbf: {  	s0 =	sor.u32 s3, s0;
	s1 =	sshll.u32 s1, $0x11  }
0xc0: {  	s0 =	sor.u32 s1, s0  }
0xc1: {  	s0 =	sadd.s32 $0x8F2B, s0  }
0xc2: {  	[sflag:s0] =	ssyncadd.remote.s32 $0x1  }
0xc3: {  	_ =	sfence.sel $0xFFFF  }
0xc4: {  	[dreg:$0x0] =	wrdreg $0xFFFFFFFF;
	(pc) =	sbr.abs _section_cstart, $3  }
0xc5: {  	[dreg:$0x1] =	wrdreg $0xFFFFFFFF  }
0xc6: {  	_ =	task.clear_ibuf [dreg:s10], $0x2FFFF;
	_ =	strace $0x9FFFFFFF  }
0xc7: {  	(tm) =	ssettm $0x7FFFFFFF  }
tec
execute0_lowered:
.L_overlay_start_1:
0x0: {  	(tag) =	ssettag $0x1  }
0x1: {  	s1 =	srdreg.scid  }
0x2: {  	s6 =	sand.u32 $0x1, s1;
	s1 =	stileid.u32  }
0x3: {  	s7 =	sshll.u32 s1, $0x1;
	s8 =	ssub.s32 $0x0, s6  }
0x4: {  	p0 =	sne.s32 s7, s8  }
.Ltmp0:
0x5: {  	s0 =	rddreg [dreg:$0x0];
	(pc) =	sbr.rel @p0 .LBB2_18-.Ltmp0, $4  }
0x6: {  	s2 =	rddreg [dreg:$0x1]  }
0x7: {  	s4 =	rddreg [dreg:$0x2]  }
0x8: {  	s5 =	rddreg [dreg:$0x3]  }
0x9: {  	s3 =	rddreg [dreg:$0x4];
	_ =	strace $0x80000047  }
0xa: {  	v0 =	vlaneseq.u32  }
0xb: {  	v0 =	vmul.u32 $0x5, v0  }
0xc: {  	v1 =	vimm.f32 $3.000000000e+09;
	v2 =	vimm.f32 $0.0e+00  }
0xd: {  	vm0 =	vmxor vm0, vm0;
	vm1 =	vmmov $0x1;
	v3 =	vadd.s32 $0x1, v0  }
0xe: {  	v4 =	vadd.s32 $0x2, v0;
	v5 =	vadd.s32 $0x3, v0;
	v6 =	vadd.s32 $0x4, v0  }
0xf: {  	v7 =	vadd.s32 $0x50, v0;
	v8 =	vadd.s32 $0x51, v0;
	v9 =	vadd.s32 $0x52, v0  }
0x10: {  	v10 =	vadd.s32 $0x53, v0;
	v11 =	vadd.s32 $0x54, v0;
	v12 =	vadd.s32 $0xA0, v0  }
0x11: {  	v13 =	vadd.s32 $0xA1, v0;
	v14 =	vadd.s32 $0xA2, v0;
	v15 =	vadd.s32 $0xA3, v0  }
0x12: {  	s6 =	ssub.s32 $0x2, s6;
	v16 =	vadd.s32 $0xA4, v0;
	v17 =	vadd.s32 $0xF0, v0;
	v18 =	vadd.s32 $0xF1, v0  }
0x13: {  	s8 =	simm.s32 $0x4E80;
	s9 =	simm.s32 $0x6280;
	s10 =	simm.s32 $0x1;
	v19 =	vadd.s32 $0xF2, v0;
	v20 =	vadd.s32 $0xF3, v0;
	v21 =	vadd.s32 $0xF4, v0  }
.Ltmp1:
0x14: {  	s11 =	simm.s32 $0x7680;
	s12 =	simm.s32 $0x7700;
	v22 =	vadd.s32 $0x140, v0;
	v23 =	vadd.s32 $0x141, v0;
	v24 =	vadd.s32 $0x142, v0;
	(pc) =	sbr.rel .LBB2_2-.Ltmp1, $4  }
0x15: {  	s13 =	simm.s32 $0x7780;
	s14 =	simm.s32 $0x7800;
	s15 =	simm.s32 $0x7880;
	v25 =	vadd.s32 $0x143, v0;
	v26 =	vadd.s32 $0x144, v0;
	v27 =	vadd.s32 $0x190, v0  }
0x16: {  	s16 =	simm.s32 $0x7900;
	s17 =	simm.s32 $0x7980;
	s7 =	sshrl.u32 s6, $0x1;
	v28 =	vadd.s32 $0x191, v0;
	v29 =	vadd.s32 $0x192, v0;
	v30 =	vadd.s32 $0x193, v0  }
0x17: {  	s18 =	simm.s32 $0x7A00;
	s19 =	simm.s32 $0x2;
	s6 =	ssub.s32 s6, s7;
	v31 =	vadd.s32 $0x194, v0;
	v32 =	vadd.s32 $0x1E0, v0;
	v33 =	vadd.s32 $0x1E1, v0  }
0x18: {  	s20 =	simm.s32 $0x0;
	s7 =	simm.s32 $0x0;
	s6 =	smax.u32 s6, $0x1;
	v34 =	vadd.s32 $0x1E2, v0;
	v35 =	vadd.s32 $0x1E3, v0;
	v36 =	vadd.s32 $0x1E4, v0  }
.LBB2_17:
0x19: {  	v37 =	vld [tilespmem:$0x7680];
	_ =	sdelay $0x4  }
0x1a: {  	[tilespmem:v0+s18+$0x0] =	vst.idx.msk $0xffff, v37  }
0x1b: {  	v37 =	vld [tilespmem:$0x7700];
	_ =	sdelay $0x4  }
0x1c: {  	[tilespmem:v3+s18+$0x0] =	vst.idx.msk $0xffff, v37  }
0x1d: {  	v37 =	vld [tilespmem:$0x7780];
	_ =	sdelay $0x4  }
0x1e: {  	[tilespmem:v4+s18+$0x0] =	vst.idx.msk $0xffff, v37  }
0x1f: {  	v37 =	vld [tilespmem:$0x7800];
	_ =	sdelay $0x4  }
0x20: {  	[tilespmem:v5+s18+$0x0] =	vst.idx.msk $0xffff, v37  }
0x21: {  	v37 =	vld [tilespmem:$0x7900];
	_ =	sdelay $0x4  }
0x22: {  	[tilespmem:v6+s18+$0x0] =	vst.idx.msk $0xffff, v37  }
0x23: {  	v37 =	vld [tilespmem:$0x7690];
	_ =	sdelay $0x4  }
0x24: {  	[tilespmem:v7+s18+$0x0] =	vst.idx.msk $0xffff, v37  }
0x25: {  	v37 =	vld [tilespmem:$0x7710];
	_ =	sdelay $0x4  }
0x26: {  	[tilespmem:v8+s18+$0x0] =	vst.idx.msk $0xffff, v37  }
0x27: {  	v37 =	vld [tilespmem:$0x7790];
	_ =	sdelay $0x4  }
0x28: {  	[tilespmem:v9+s18+$0x0] =	vst.idx.msk $0xffff, v37  }
0x29: {  	v37 =	vld [tilespmem:$0x7810];
	_ =	sdelay $0x4  }
0x2a: {  	[tilespmem:v10+s18+$0x0] =	vst.idx.msk $0xffff, v37  }
0x2b: {  	v37 =	vld [tilespmem:$0x7910];
	_ =	sdelay $0x4  }
0x2c: {  	[tilespmem:v11+s18+$0x0] =	vst.idx.msk $0xffff, v37  }
0x2d: {  	v37 =	vld [tilespmem:$0x76A0];
	_ =	sdelay $0x4  }
0x2e: {  	[tilespmem:v12+s18+$0x0] =	vst.idx.msk $0xffff, v37  }
0x2f: {  	v37 =	vld [tilespmem:$0x7720];
	_ =	sdelay $0x4  }
0x30: {  	[tilespmem:v13+s18+$0x0] =	vst.idx.msk $0xffff, v37  }
0x31: {  	v37 =	vld [tilespmem:$0x77A0];
	_ =	sdelay $0x4  }
0x32: {  	[tilespmem:v14+s18+$0x0] =	vst.idx.msk $0xffff, v37  }
0x33: {  	v37 =	vld [tilespmem:$0x7820];
	_ =	sdelay $0x4  }
0x34: {  	[tilespmem:v15+s18+$0x0] =	vst.idx.msk $0xffff, v37  }
0x35: {  	v37 =	vld [tilespmem:$0x7920];
	_ =	sdelay $0x4  }
0x36: {  	[tilespmem:v16+s18+$0x0] =	vst.idx.msk $0xffff, v37  }
0x37: {  	v37 =	vld [tilespmem:$0x76B0];
	_ =	sdelay $0x4  }
0x38: {  	[tilespmem:v17+s18+$0x0] =	vst.idx.msk $0xffff, v37  }
0x39: {  	v37 =	vld [tilespmem:$0x7730];
	_ =	sdelay $0x4  }
0x3a: {  	[tilespmem:v18+s18+$0x0] =	vst.idx.msk $0xffff, v37  }
0x3b: {  	v37 =	vld [tilespmem:$0x77B0];
	_ =	sdelay $0x4  }
0x3c: {  	[tilespmem:v19+s18+$0x0] =	vst.idx.msk $0xffff, v37  }
0x3d: {  	v37 =	vld [tilespmem:$0x7830];
	_ =	sdelay $0x4  }
0x3e: {  	[tilespmem:v20+s18+$0x0] =	vst.idx.msk $0xffff, v37  }
0x3f: {  	v37 =	vld [tilespmem:$0x7930];
	_ =	sdelay $0x4  }
0x40: {  	[tilespmem:v21+s18+$0x0] =	vst.idx.msk $0xffff, v37  }
0x41: {  	v37 =	vld [tilespmem:$0x76C0];
	_ =	sdelay $0x4  }
0x42: {  	[tilespmem:v22+s18+$0x0] =	vst.idx.msk $0xffff, v37  }
0x43: {  	v37 =	vld [tilespmem:$0x7740];
	_ =	sdelay $0x4  }
0x44: {  	[tilespmem:v23+s18+$0x0] =	vst.idx.msk $0xffff, v37  }
0x45: {  	v37 =	vld [tilespmem:$0x77C0];
	_ =	sdelay $0x4  }
0x46: {  	[tilespmem:v24+s18+$0x0] =	vst.idx.msk $0xffff, v37  }
0x47: {  	v37 =	vld [tilespmem:$0x7840];
	_ =	sdelay $0x4  }
0x48: {  	[tilespmem:v25+s18+$0x0] =	vst.idx.msk $0xffff, v37  }
0x49: {  	v37 =	vld [tilespmem:$0x7940];
	_ =	sdelay $0x4  }
0x4a: {  	[tilespmem:v26+s18+$0x0] =	vst.idx.msk $0xffff, v37  }
0x4b: {  	v37 =	vld [tilespmem:$0x76D0];
	_ =	sdelay $0x4  }
0x4c: {  	[tilespmem:v27+s18+$0x0] =	vst.idx.msk $0xffff, v37  }
0x4d: {  	v37 =	vld [tilespmem:$0x7750];
	_ =	sdelay $0x4  }
0x4e: {  	[tilespmem:v28+s18+$0x0] =	vst.idx.msk $0xffff, v37  }
0x4f: {  	v37 =	vld [tilespmem:$0x77D0];
	_ =	sdelay $0x4  }
0x50: {  	[tilespmem:v29+s18+$0x0] =	vst.idx.msk $0xffff, v37  }
0x51: {  	v37 =	vld [tilespmem:$0x7850];
	_ =	sdelay $0x4  }
0x52: {  	[tilespmem:v30+s18+$0x0] =	vst.idx.msk $0xffff, v37  }
0x53: {  	v37 =	vld [tilespmem:$0x7950];
	_ =	sdelay $0x4  }
0x54: {  	[tilespmem:v31+s18+$0x0] =	vst.idx.msk $0xffff, v37  }
0x55: {  	v37 =	vld [tilespmem:$0x76E0];
	_ =	sdelay $0x4  }
0x56: {  	[tilespmem:v32+s18+$0x0] =	vst.idx.msk $0xf, v37  }
0x57: {  	v37 =	vld [tilespmem:$0x7760];
	_ =	sdelay $0x4  }
0x58: {  	[tilespmem:v33+s18+$0x0] =	vst.idx.msk $0xf, v37  }
0x59: {  	v37 =	vld [tilespmem:$0x77E0];
	_ =	sdelay $0x4  }
0x5a: {  	[tilespmem:v34+s18+$0x0] =	vst.idx.msk $0xf, v37  }
0x5b: {  	v37 =	vld [tilespmem:$0x7860];
	_ =	sdelay $0x4  }
0x5c: {  	[tilespmem:v35+s18+$0x0] =	vst.idx.msk $0xf, v37  }
0x5d: {  	v37 =	vld [tilespmem:$0x7960];
	_ =	sdelay $0x2  }
0x5e: {  	s20 =	sadd.s32 $0x1, s20  }
0x5f: {  	p0 =	sne.s32 s20, s6  }
.Ltmp2:
0x60: {  	[tilespmem:v36+s18+$0x0] =	vst.idx.msk $0xf, v37;
	(pc) =	sbr.rel @!p0 .LBB2_18-.Ltmp2, $4  }
0x61: {  	[hbm4b:s5+s7] =	stream.linear.scatter [tilespmem:s18], [sflag:$0x2], $0x1F4, $0x38;
	[tilespmem:$0x7C00] =	vst v63  }
0x62: {  	_ =	swait.ge [sflag:s19], $0x1F4  }
0x63: {  	[sflag:s19] =	ssyncset.done $0x0  }
0x64: {  	[sflag:s19] =	ssyncadd.s32 $0xFFFFFE0C  }
.LBB2_2:
0x65: {  	[tilespmem:s7], [sflag:$0x1] =	stream.linear.gather [hbm4b:s0+s7], $0x4E20, $0x38;
	[tilespmem:$0x7C00] =	vst v63  }
0x66: {  	_ = 	snop  }
0x67: {  	[tilespmem:s8], [sflag:$0x1] =	stream.linear.gather [hbm4b:s2+s7], $0x1388, $0x38;
	[tilespmem:$0x7C00] =	vst v63  }
0x68: {  	_ = 	snop  }
0x69: {  	[tilespmem:s9], [sflag:$0x1] =	stream.linear.gather [hbm4b:s4+s7], $0x1388, $0x38;
	[tilespmem:$0x7C00] =	vst v63  }
0x6a: {  	_ =	swait.ge [sflag:s10], $0x4E20  }
0x6b: {  	[sflag:s10] =	ssyncset.done $0x0  }
0x6c: {  	[sflag:s10] =	ssyncadd.s32 $0xFFFFB1E0  }
0x6d: {  	_ =	swait.ge [sflag:s10], $0x1388  }
0x6e: {  	[sflag:s10] =	ssyncset.done $0x0  }
0x6f: {  	[sflag:s10] =	ssyncadd.s32 $0xFFFFEC78  }
0x70: {  	_ =	swait.ge [sflag:s10], $0x1388  }
0x71: {  	[sflag:s10] =	ssyncset.done $0x0  }
0x72: {  	[sflag:s10] =	ssyncadd.s32 $0xFFFFEC78  }
0x73: {  	[tilespmem:$0x7680] =	vst v1  }
0x74: {  	[tilespmem:$0x7700] =	vst v1  }
0x75: {  	[tilespmem:$0x7780] =	vst v1  }
0x76: {  	[tilespmem:$0x7800] =	vst v1  }
0x77: {  	[tilespmem:$0x7880] =	vst v2  }
0x78: {  	[tilespmem:$0x7690] =	vst v1  }
0x79: {  	[tilespmem:$0x7710] =	vst v1  }
0x7a: {  	[tilespmem:$0x7790] =	vst v1  }
0x7b: {  	[tilespmem:$0x7810] =	vst v1  }
0x7c: {  	[tilespmem:$0x7890] =	vst v2  }
0x7d: {  	[tilespmem:$0x76A0] =	vst v1  }
0x7e: {  	[tilespmem:$0x7720] =	vst v1  }
0x7f: {  	[tilespmem:$0x77A0] =	vst v1  }
0x80: {  	[tilespmem:$0x7820] =	vst v1  }
0x81: {  	[tilespmem:$0x78A0] =	vst v2  }
0x82: {  	[tilespmem:$0x76B0] =	vst v1  }
0x83: {  	[tilespmem:$0x7730] =	vst v1  }
0x84: {  	[tilespmem:$0x77B0] =	vst v1  }
0x85: {  	[tilespmem:$0x7830] =	vst v1  }
0x86: {  	[tilespmem:$0x78B0] =	vst v2  }
0x87: {  	[tilespmem:$0x76C0] =	vst v1  }
0x88: {  	[tilespmem:$0x7740] =	vst v1  }
0x89: {  	[tilespmem:$0x77C0] =	vst v1  }
0x8a: {  	[tilespmem:$0x7840] =	vst v1  }
0x8b: {  	[tilespmem:$0x78C0] =	vst v2  }
0x8c: {  	[tilespmem:$0x76D0] =	vst v1  }
0x8d: {  	[tilespmem:$0x7750] =	vst v1  }
0x8e: {  	[tilespmem:$0x77D0] =	vst v1  }
0x8f: {  	[tilespmem:$0x7850] =	vst v1  }
0x90: {  	[tilespmem:$0x78D0] =	vst v2  }
0x91: {  	[tilespmem:$0x76E0] =	vst v1  }
0x92: {  	[tilespmem:$0x7760] =	vst v1  }
0x93: {  	[tilespmem:$0x77E0] =	vst v1  }
0x94: {  	[tilespmem:$0x7860] =	vst v1  }
0x95: {  	[tilespmem:$0x78E0] =	vst v2  }
.Ltmp3:
0x96: {  	[tilespmem:$0x76F0] =	vst v1;
	(pc) =	sbr.rel .LBB2_3-.Ltmp3, $4  }
0x97: {  	[tilespmem:$0x7770] =	vst v1  }
0x98: {  	[tilespmem:$0x77F0] =	vst v1  }
0x99: {  	[tilespmem:$0x7870] =	vst v1  }
0x9a: {  	s24 =	simm.s32 $0x0;
	s25 =	simm.s32 $0x0;
	s26 =	simm.s32 $0x0;
	[tilespmem:$0x78F0] =	vst v2  }
.LBB2_5:
0x9b: {  	vm2 =	vmmov vm0  }
.LBB2_12:
0x9c: {  	v47 =	vmax.f32 v47, v42;
	v50 =	vmin.f32 v50, v39;
	v52 =	vsub.f32 v54, v52  }
0x9d: {  	v51 =	vsub.f32 v53, v51;
	v48 =	vmax.f32 v48, v40;
	v49 =	vmin.f32 v49, v38  }
0x9e: {  	v47 =	vsub.f32 v50, v47;
	v48 =	vsub.f32 v49, v48  }
0x9f: {  	v56 =	vmax.f32 v52, $0.0e+00;
	v59 =	vmax.f32 v51, $0.0e+00;
	v45 =	vadd.f32 v45, v41  }
0xa0: {  	v49 =	vmul.f32 v59, v56;
	v47 =	vmax.f32 v47, $0.0e+00;
	v48 =	vmax.f32 v48, $0.0e+00  }
0xa1: {  	v44 =	vadd.f32 v44, v41;
	v47 =	vmul.f32 v48, v47  }
0xa2: {  	v45 =	vsub.f32 v45, v49  }
0xa3: {  	(erf) = vrcp.f32 @p0 v57;
	v48 =	vadd.f32 @p0 $9.999999710e-10, v55;
	v44 =	vsub.f32 v44, v47  }
0xa4: {  	v45 =	vadd.f32 $9.999999710e-10, v45  }
0xa5: {  	(erf) = vrcp.f32 @p0 v48;
	v44 =	vadd.f32 $9.999999710e-10, v44  }
0xa6: {  	(erf) = vrcp.f32 v45  }
0xa7: {  	(erf) = vrcp.f32 v44;
	_ =	sdelay $0x3  }
0xa8: {  	v45 =	vmul.f32 @p1 v58, v60;
	v44 =	vpop @p1 (erf)  }
0xa9: {  	v48 =	vpop @p0 (erf);
	v44 =	vmul.f32 @p1 v44, v61  }
0xaa: {  	v43 =	vpsel p0, v43, v0;
	vm3 =	vgt.f32 @p1 v45, $5.000000000e-01;
	v45 =	vpsel p0, v48, v0  }
0xab: {  	v48 =	vpop @p0 (erf);
	vm4 =	vgt.f32 @p1 v44, $5.000000000e-01;
	v44 =	vpsel p0, v46, v0;
	v43 =	vmul.f32 @p0 v45, v43  }
0xac: {  	vm3 =	vmor @p1 vm3, vm4;
	v44 =	vmul.f32 @p0 v48, v44;
	v61 =	vpop (erf)  }
0xad: {  	vm4 =	vmmov vm0;
	vm2 =	vmor @p1 vm2, vm3;
	vm3 =	vgt.f32 @p0 v43, $5.000000000e-01;
	v62 =	vpop (erf)  }
0xae: {  	vm5 =	vgt.f32 @p0 v44, $5.000000000e-01;
	v63 =	vmul.f32 v61, v49;
	v43 =	vmul.f32 v62, v47  }
0xaf: {  	vm4 =	vmmov @p1 vm2;
	vm2 =	vmor @p0 vm3, vm5;
	vm3 =	vmmov vm0  }
0xb0: {  	vm2 =	vmor @p0 vm4, vm2;
	vm14 =	vgt.f32 v63, $5.000000000e-01;
	vm15 =	vgt.f32 v43, $5.000000000e-01  }
0xb1: {  	vm3 =	vmmov @p0 vm2;
	vm2 =	vmor vm14, vm15  }
0xb2: {  	vm2 =	vmor vm3, vm2  }
.LBB2_13:
0xb3: {  	v43 =	vmpcnt.ones.xlane vm2;
	_ =	sdelay $0x1  }
0xb4: {  	(v2sf) =	vpush v43, $0x0;
	_ =	sdelay $0xe  }
0xb5: {  	p0 =	sgt.f32 s24, $5.000000070e-02;
	s25 =	spop (v2sf)  }
0xb6: {  	p1 =	slt.s32 s25, $0x1  }
0xb7: {  	p2 =	por !p0, !p1  }
0xb8: {  	p4 =	por !p2, !p2;
	p2 =	sgt.s32 s25, $0x0  }
0xb9: {  	vm2 =	vmmov vm0;
	p3 =	por !p0, !p2  }
0xba: {  	p5 =	slt.s32 s23, $0x64;
	vm2 =	vmneg @p4 vm2;
	p3 =	por !p3, !p3  }
0xbb: {  	s25 =	simm.s32 $0x1;
	vm2 =	vmand vm2, vm1;
	p5 =	por !p5, !p3  }
0xbc: {  	v61 =	vmov s22;
	vm3 =	vmmov vm0;
	s26 =	smov.u32 s23;
	s25 =	simm.s32 @!p4 $0x0;
	p5 =	por !p5, !p5  }
0xbd: {  	p4 =	sgt.u32 s21, $0x1386;
	s25 =	sadd.s32 s25, s22;
	vm3 =	vmneg @p5 vm3;
	p5 =	slt.s32 s23, $0x7F  }
0xbe: {  	s26 =	simm.s32 @!p5 $0x7F;
	p5 =	sgt.u32 @!p4 s25, $0x63  }
0xbf: {  	p4 =	por p4, p5  }
0xc0: {  	p5 =	sgt.f32 @!p4 s24, $5.000000070e-02  }
0xc1: {  	vm3 =	vmand vm3, vm1;
	[tilespmem:v61+s11+$0x0] =	vst.idx.msk vm2, v42;
	s24 =	simm.s32 $0x1  }
0xc2: {  	v62 =	vmov s26;
	[tilespmem:v61+s12+$0x0] =	vst.idx.msk vm2, v40;
	s24 =	simm.s32 @!p3 $0x0;
	p3 =	por p4, !p5  }
.Ltmp4:
0xc3: {  	[tilespmem:v61+s13+$0x0] =	vst.idx.msk vm2, v39;
	(pc) =	sbr.rel @p3 .LBB2_14-.Ltmp4, $4  }
0xc4: {  	v37 =	vbroadcast v37, $0x0;
	[tilespmem:v61+s14+$0x0] =	vst.idx.msk vm2, v38  }
0xc5: {  	[tilespmem:v61+s15+$0x0] =	vst.idx.msk vm2, v41  }
0xc6: {  	v63 =	vmov s21;
	[tilespmem:v61+s16+$0x0] =	vst.idx.msk vm2, v37  }
0xc7: {  	s26 =	sadd.s32 $0x1, s21;
	s24 =	sadd.s32 s24, s23;
	[tilespmem:v62+s17+$0x0] =	vst.idx.msk vm3, v63  }
.LBB2_3:
0xc8: {  	v38 =	vld [tilespmem:s26+$0x6280];
	_ =	sdelay $0x1  }
0xc9: {  	v37 =	vld [tilespmem:s26+$0x4E80];
	_ =	sdelay $0x2  }
0xca: {  	v38 =	vshll.u32 v38, $0x2  }
0xcb: {  	v38 =	vbroadcast v38, $0x0  }
0xcc: {  	(v2sf) =	vpush v37, $0x0  }
0xcd: {  	v39 =	vor.u32 $0x1, v38  }
0xce: {  	v41 =	vor.u32 $0x2, v38  }
0xcf: {  	v43 =	vor.u32 $0x3, v38;
	_ =	sdelay $0x1  }
0xd0: {  	v42 =	vld.idx.msk [tilespmem:v38+s7+$0x0], $0xffff  }
0xd1: {  	v40 =	vld.idx.msk [tilespmem:v39+s7+$0x0], $0xffff  }
0xd2: {  	v39 =	vld.idx.msk [tilespmem:v41+s7+$0x0], $0xffff  }
0xd3: {  	s23 =	sadd.s32 $0x1F, s25;
	v38 =	vld.idx.msk [tilespmem:v43+s7+$0x0], $0xffff  }
0xd4: {  	s22 =	smov.u32 s25;
	s25 =	sshrl.u32 s23, $0x5  }
0xd5: {  	p0 =	seq.s32 s25, $0x0  }
.Ltmp5:
0xd6: {  	_ = 	snop;
	(pc) =	sbr.rel @p0 .LBB2_13-.Ltmp5, $3  }
0xd7: {  	_ = 	snop  }
0xd8: {  	v41 =	vsub.f32 v39, v42;
	v43 =	vsub.f32 v38, v40;
	_ =	sdelay $0x1  }
0xd9: {  	s21 =	smov.u32 s26;
	vm2 =	vmmov vm0;
	s23 =	smov.u32 s24;
	s24 =	spop (v2sf);
	v41 =	vmul.f32 v43, v41  }
0xda: {  	s26 =	simm.s32 $0x7690  }
0xdb: {  	s28 =	simm.s32 $0x7710;
	v43 =	vld [tilespmem:s26+$0xFFFFFFF0]  }
0xdc: {  	s29 =	simm.s32 $0x7790;
	v44 =	vld [tilespmem:s28+$0xFFFFFFF0]  }
0xdd: {  	s30 =	simm.s32 $0x7810;
	v46 =	vld [tilespmem:s29+$0xFFFFFFF0]  }
0xde: {  	v53 =	vld [tilespmem:s30+$0xFFFFFFF0]  }
0xdf: {  	v47 =	vld [tilespmem:s26+$0x0]  }
0xe0: {  	p2 =	sne.s32 s25, $0x1;
	v48 =	vld [tilespmem:s28+$0x0]  }
.Ltmp6:
0xe1: {  	v50 =	vld [tilespmem:s29+$0x0];
	(pc) =	sbr.rel @!p2 .LBB2_5-.Ltmp6, $4  }
0xe2: {  	v49 =	vld [tilespmem:s30+$0x0]  }
0xe3: {  	s31 =	simm.s32 $0x7890  }
0xe4: {  	s25 =	sadd.s32 $0xFFFFFFFF, s25;
	v45 =	vld [tilespmem:s31+$0xFFFFFFF0];
	v52 =	vmax.f32 v43, v42  }
0xe5: {  	p0 =	por $0x0, $0x0;
	p1 =	por $0x0, $0x0;
	s26 =	simm.s32 $0x76B0;
	v51 =	vmax.f32 v44, v40;
	v54 =	vmin.f32 v46, v39;
	v53 =	vmin.f32 v53, v38;
	v44 =	vld [tilespmem:s31+$0x0]  }
0xe6: {  	v55 =	vld [tilespmem:s26+$0xFFFFFFF0]  }
0xe7: {  	s28 =	simm.s32 $0x7730;
	v43 =	vmax.f32 v47, v42;
	v47 =	vld [tilespmem:s26+$0x0]  }
0xe8: {  	s29 =	simm.s32 $0x77B0;
	v56 =	vld [tilespmem:s28+$0xFFFFFFF0]  }
0xe9: {  	v46 =	vmin.f32 v50, v39;
	v59 =	vsub.f32 v54, v52;
	s30 =	simm.s32 $0x7830;
	v51 =	vsub.f32 v53, v51;
	v57 =	vld [tilespmem:s29+$0xFFFFFFF0]  }
0xea: {  	v48 =	vmax.f32 v48, v40;
	v49 =	vmin.f32 v49, v38;
	v60 =	vld [tilespmem:s30+$0xFFFFFFF0];
	v46 =	vsub.f32 v46, v43  }
0xeb: {  	p2 =	sne.s32 s25, $0x1;
	v50 =	vld [tilespmem:s29+$0x0];
	v49 =	vsub.f32 v49, v48;
	v61 =	vmax.f32 v59, $0.0e+00;
	v62 =	vmax.f32 v51, $0.0e+00  }
.Ltmp7:
0xec: {  	v48 =	vld [tilespmem:s28+$0x0];
	v43 =	vmul.f32 v62, v61;
	v45 =	vadd.f32 v45, v41;
	(pc) =	sbr.rel @!p2 .LBB2_7-.Ltmp7, $4  }
0xed: {  	v46 =	vmax.f32 v46, $0.0e+00;
	v63 =	vmax.f32 v49, $0.0e+00;
	v49 =	vld [tilespmem:s30+$0x0]  }
0xee: {  	v59 =	vadd.f32 v44, v41;
	s30 =	simm.s32 $0x78B0;
	v58 =	vsub.f32 v45, v43;
	v46 =	vmul.f32 v63, v46  }
0xef: {  	v45 =	vld [tilespmem:s30+$0xFFFFFFF0];
	v52 =	vmax.f32 v55, v42;
	v51 =	vmax.f32 v56, v40;
	v54 =	vmin.f32 v57, v39  }
0xf0: {  	s31 =	sadd.s32 $0xFFFFFFFF, s25;
	p0 =	por $0x1, $0x1;
	s29 =	simm.s32 $0x76D0;
	v44 =	vld [tilespmem:s30+$0x0];
	v53 =	vmin.f32 v60, v38;
	v57 =	vadd.f32 $9.999999710e-10, v58;
	v55 =	vsub.f32 v59, v46  }
0xf1: {  	v58 =	vld [tilespmem:s29+$0xFFFFFFF0];
	s25 =	simm.s32 $0x7750  }
0xf2: {  	s26 =	simm.s32 $0x77D0;
	(erf) = vrcp.f32 v57;
	v57 =	vld [tilespmem:s25+$0xFFFFFFF0];
	v62 =	vadd.f32 $9.999999710e-10, v55  }
0xf3: {  	v47 =	vmax.f32 v47, v42;
	v50 =	vmin.f32 v50, v39;
	s28 =	simm.s32 $0x7850;
	v60 =	vld [tilespmem:s26+$0xFFFFFFF0]  }
0xf4: {  	v52 =	vsub.f32 v54, v52;
	v51 =	vsub.f32 v53, v51;
	v55 =	vld [tilespmem:s28+$0xFFFFFFF0];
	(erf) = vrcp.f32 v62  }
0xf5: {  	v48 =	vmax.f32 v48, v40;
	v49 =	vmin.f32 v49, v38;
	v63 =	vsub.f32 v50, v47;
	v47 =	vld [tilespmem:s29+$0x0]  }
0xf6: {  	p2 =	sne.s32 s31, $0x1;
	v50 =	vld [tilespmem:s26+$0x0];
	v49 =	vsub.f32 v49, v48;
	v56 =	vmax.f32 v52, $0.0e+00;
	v51 =	vmax.f32 v51, $0.0e+00  }
.Ltmp8:
0xf7: {  	v48 =	vld [tilespmem:s25+$0x0];
	v56 =	vmul.f32 v51, v56;
	v45 =	vadd.f32 v45, v41;
	(pc) =	sbr.rel @!p2 .LBB2_9-.Ltmp8, $4  }
0xf8: {  	vm2 =	vmmov vm0;
	v51 =	vmax.f32 v63, $0.0e+00;
	v59 =	vmax.f32 v49, $0.0e+00;
	v49 =	vld [tilespmem:s28+$0x0]  }
0xf9: {  	s29 =	simm.s32 $0x78D0;
	v62 =	vadd.f32 v44, v41;
	v61 =	vsub.f32 v45, v56;
	v59 =	vmul.f32 v59, v51  }
0xfa: {  	v45 =	vld [tilespmem:s29+$0xFFFFFFF0];
	v52 =	vmax.f32 v58, v42;
	v51 =	vmax.f32 v57, v40;
	v54 =	vmin.f32 v60, v39  }
0xfb: {  	s30 =	simm.s32 $0x76F0;
	s31 =	sadd.s32 $0xFFFFFFFF, s31;
	p1 =	por $0x1, $0x1;
	v44 =	vld [tilespmem:s29+$0x0];
	v53 =	vmin.f32 v55, v38;
	v57 =	vadd.f32 $9.999999710e-10, v61;
	v55 =	vsub.f32 v62, v59;
	v58 =	vpop (erf)  }
.LBB2_10:
0xfc: {  	v60 =	vld [tilespmem:s30+$0xFFFFFFF0];
	p2 =	sne.s32 s31, $0x1;
	v47 =	vmax.f32 v47, v42;
	v48 =	vmax.f32 v48, v40;
	v50 =	vmin.f32 v50, v39;
	s25 =	sadd.s32 $0x20, s25  }
0xfd: {  	s26 =	sadd.s32 $0x20, s26;
	v61 =	vld [tilespmem:s25+$0xFFFFFFF0];
	v49 =	vmin.f32 v49, v38;
	v55 =	vadd.f32 $9.999999710e-10, v55;
	(erf) = vrcp.f32 v57;
	v57 =	vpop (erf)  }
0xfe: {  	v52 =	vsub.f32 v54, v52;
	s28 =	sadd.s32 $0x20, s28;
	v54 =	vmul.f32 v58, v43;
	v43 =	vmovc v56;
	v62 =	vld [tilespmem:s26+$0xFFFFFFF0];
	v57 =	vmul.f32 v57, v46  }
0xff: {  	v51 =	vsub.f32 v53, v51;
	v53 =	vsub.f32 v50, v47;
	v46 =	vmovc v59;
	v58 =	vld [tilespmem:s28+$0xFFFFFFF0];
	(erf) = vrcp.f32 v55  }
0x100: {  	vm3 =	vgt.f32 v54, $5.000000000e-01;
	v55 =	vsub.f32 v49, v48;
	v47 =	vld [tilespmem:s30+$0x0];
	vm4 =	vgt.f32 v57, $5.000000000e-01  }
0x101: {  	v51 =	vmax.f32 v51, $0.0e+00;
	v49 =	vmax.f32 v52, $0.0e+00;
	v48 =	vld [tilespmem:s25+$0x0];
	vm3 =	vmor vm3, vm4  }
.Ltmp9:
0x102: {  	v45 =	vadd.f32 v45, v41;
	v56 =	vmul.f32 v51, v49;
	v50 =	vld [tilespmem:s26+$0x0];
	vm2 =	vmor vm2, vm3;
	(pc) =	sbr.rel @p2 .LBB2_10-.Ltmp9, $4  }
0x103: {  	v51 =	vmax.f32 v53, $0.0e+00;
	v52 =	vmax.f32 v55, $0.0e+00;
	v49 =	vld [tilespmem:s28+$0x0]  }
0x104: {  	s29 =	sadd.s32 $0x20, s29;
	v63 =	vadd.f32 v44, v41;
	v55 =	vsub.f32 v45, v56;
	v59 =	vmul.f32 v52, v51  }
0x105: {  	v52 =	vmax.f32 v60, v42;
	v51 =	vmax.f32 v61, v40;
	v54 =	vmin.f32 v62, v39;
	v45 =	vld [tilespmem:s29+$0xFFFFFFF0]  }
0x106: {  	s31 =	sadd.s32 $0xFFFFFFFF, s31;
	s30 =	sadd.s32 $0x20, s30;
	v53 =	vmin.f32 v58, v38;
	v57 =	vadd.f32 $9.999999710e-10, v55;
	v55 =	vsub.f32 v63, v59;
	v44 =	vld [tilespmem:s29+$0x0];
	v58 =	vpop (erf)  }
.Ltmp10:
0x107: {  	(pc) =	sbr.rel .LBB2_12-.Ltmp10, $2  }
0x108: {  	_ =	sdelay $0x2  }
0x109: {  	v60 =	vmovc v43;
	v61 =	vmov v46;
	v43 =	vmov v56;
	v46 =	vmov v59  }
.LBB2_7:
.Ltmp11:
0x10a: {  	(pc) =	sbr.rel .LBB2_12-.Ltmp11, $2  }
0x10b: {  	_ =	sdelay $0x2  }
0x10c: {  	vm2 =	vmmov vm0  }
.LBB2_9:
.Ltmp12:
0x10d: {  	(pc) =	sbr.rel .LBB2_12-.Ltmp12, $2  }
0x10e: {  	_ =	sdelay $0x2  }
0x10f: {  	v60 =	vmovc v43;
	v61 =	vmovc v46;
	v43 =	vmov v56;
	v46 =	vmov v59;
	vm2 =	vmmov vm0  }
.LBB2_14:
0x110: {  	p3 =	sgt.u32 s25, $0x63  }
.Ltmp13:
0x111: {  	_ = 	snop;
	(pc) =	sbr.rel @p3 .LBB2_17-.Ltmp13, $1  }
0x112: {  	_ =	sdelay $0x3  }
0x113: {  	s25 =	simm.s32 $0x1;
	s28 =	simm.s32 $0x1  }
0x114: {  	s29 =	simm.s32 $0x1;
	s21 =	smov.u32 @p0 s26;
	s25 =	simm.s32 @!p0 $0x0  }
0x115: {  	s28 =	simm.s32 @!p1 $0x0;
	s29 =	simm.s32 @!p2 $0x0;
	s21 =	ssub.s32 s21, s23  }
0x116: {  	s23 =	simm.s32 $0x0;
	s30 =	smin.u32 s25, s28;
	s31 =	smin.u32 s25, s29  }
0x117: {  	s25 =	simm.s32 $0x7980;
	s22 =	sadd.s32 s30, s22;
	s21 =	ssub.s32 s21, s31  }
.LBB2_16:
0x118: {  	v37 =	vld [tilespmem:s25+$0x0];
	_ =	sdelay $0x4  }
0x119: {  	(v2sf) =	vpush v37, $0x0;
	_ =	sdelay $0xe  }
0x11a: {  	p0 =	slt.s32 s23, s24;
	s28 =	sadd.s32 s23, s21;
	s26 =	spop (v2sf)  }
0x11b: {  	s28 =	smov.u32 @p0 s26  }
0x11c: {  	v63 =	vld [tilespmem:s28+$0x6280];
	_ =	sdelay $0x4  }
0x11d: {  	v37 =	vshll.u32 v63, $0x2  }
0x11e: {  	v37 =	vbroadcast v37, $0x0;
	_ =	sdelay $0x1  }
0x11f: {  	v38 =	vor.u32 $0x1, v37  }
0x120: {  	v39 =	vor.u32 $0x2, v37  }
0x121: {  	v40 =	vor.u32 $0x3, v37  }
0x122: {  	s30 =	sadd.s32 s23, s22  }
0x123: {  	v41 =	vmov s30;
	v37 =	vld.idx.msk [tilespmem:v37+s7+$0x0], $0xffff  }
0x124: {  	v38 =	vld.idx.msk [tilespmem:v38+s7+$0x0], $0xffff  }
0x125: {  	s23 =	sadd.s32 $0x1, s23;
	v39 =	vld.idx.msk [tilespmem:v39+s7+$0x0], $0xffff  }
0x126: {  	s31 =	sadd.s32 s23, s22;
	v40 =	vld.idx.msk [tilespmem:v40+s7+$0x0], $0xffff  }
0x127: {  	p0 =	sne.s32 s31, $0x64  }
.Ltmp14:
0x128: {  	[tilespmem:v41+s11+$0x0] =	vst.idx.msk $0x1, v37;
	(pc) =	sbr.rel @p0 .LBB2_16-.Ltmp14, $4  }
0x129: {  	[tilespmem:v41+s12+$0x0] =	vst.idx.msk $0x1, v38  }
0x12a: {  	[tilespmem:v41+s13+$0x0] =	vst.idx.msk $0x1, v39  }
0x12b: {  	[tilespmem:v41+s14+$0x0] =	vst.idx.msk $0x1, v40  }
0x12c: {  	s25 =	sadd.s32 $0x1, s25;
	[tilespmem:v41+s16+$0x0] =	vst.idx.msk $0x1, v2  }
.Ltmp15:
0x12d: {  	_ = 	snop;
	(pc) =	sbr.rel .LBB2_17-.Ltmp15, $1  }
0x12e: {  	_ =	sdelay $0x3  }
.LBB2_18:
0x12f: {  	_ =	sfence.sel $0x180000  }
0x130: {  	[bflag:$0x0] =	sbarrier.arrive $0xFFFF  }
0x131: {  	p0 =	sne.s32 s1, $0x0;
	_ =	strace $0x90000047  }
0x132: {  	s0 =	sadd.s32 @!p0 $0x100000, s3;
	[bflag:$0x2] =	sbarrier.arrive $0xFFFF  }
0x133: {  	[sflag:s0] =	ssyncadd.tile.s32 @!p0 $0x1;
	_ =	shalt  }
.Lfunc_end2:
_tile_overlayer_lowered:
.L_overlay_start_2:
0x134: {  	(tag) =	ssettag $0x2  }
0x135: {  	s0 =	rddreg [dreg:$0x0];
	s2 =	stileid.u32  }
0x136: {  	s1 =	rddreg [dreg:$0x1];
	p0 =	sne.s32 s2, $0x0  }
0x137: {  	s3 =	rddreg [dreg:$0x2];
	[bflag:$0x3] =	sbarrier.arrive $0xFFFF;
	s2 =	simm.s32 @!p0 $0x1C02  }
0x138: {  	[timem:s3], [sflag:s2] =	dma.local @!p0 [hbm:s0], s1  }
0x139: {  	s0 =	simm.s32 @!p0 $0x2  }
0x13a: {  	_ =	swait.ge @!p0 [sflag:s0], s1  }
0x13b: {  	s1 =	ssub.s32 @!p0 $0x0, s1;
	[sflag:s0] =	ssyncset.done @!p0 $0x0  }
0x13c: {  	[sflag:s0] =	ssyncadd.s32 @!p0 s1  }
0x13d: {  	[bflag:$0x3] =	sbarrier.arrive $0xFFFF  }
0x13e: {  	_ =	shalt  }

</sc_bundles>
